<compile_context>
chip_gen: v7x
topology: tpu7x:2x2x1
jax: 0.10.2.dev20260603
libtpu: 0.0.44.dev20260713+nightly
codegen_flags: <defaults>
</compile_context>

<pallas_src>
import functools

import jax
import jax.numpy as jnp
from jax import lax
from jax.experimental import pallas as pl
from jax.experimental.pallas import tpu as pltpu
from jax.experimental.pallas import tpu_sc as plsc

_PER = 100
_NCLS = 100
_BT = 128
_OUTW = 128


def _sc_row_gather(table, idx):
    n, d = table.shape
    info = plsc.get_sparse_core_info()
    nw = info.num_cores * info.num_subcores
    bpw = n // nw
    mesh = plsc.VectorSubcoreMesh(core_axis_name="c", subcore_axis_name="s")

    @functools.partial(
        pl.kernel,
        out_type=jax.ShapeDtypeStruct((n, d), table.dtype),
        mesh=mesh,
        scratch_types=[
            pltpu.VMEM((bpw,), jnp.int32),
            pltpu.VMEM((bpw, d), table.dtype),
            pltpu.SemaphoreType.DMA,
        ],
    )
    def body(table_hbm, idx_hbm, out_hbm, idx_v, rows_v, sem):
        wid = lax.axis_index("s") * info.num_cores + lax.axis_index("c")
        base = wid * bpw
        pltpu.sync_copy(idx_hbm.at[pl.ds(base, bpw)], idx_v)
        pltpu.async_copy(table_hbm.at[idx_v], rows_v, sem).wait()
        pltpu.sync_copy(rows_v, out_hbm.at[pl.ds(base, bpw)])

    return body(table, idx)


def _sc_unroute(vals, idx):
    n, d = vals.shape
    info = plsc.get_sparse_core_info()
    nw = info.num_cores * info.num_subcores
    bpw = n // nw
    mesh = plsc.VectorSubcoreMesh(core_axis_name="c", subcore_axis_name="s")

    @functools.partial(
        pl.kernel,
        out_type=jax.ShapeDtypeStruct((n, d), vals.dtype),
        mesh=mesh,
        scratch_types=[
            pltpu.VMEM((bpw,), jnp.int32),
            pltpu.VMEM((bpw, d), vals.dtype),
            pltpu.SemaphoreType.DMA,
        ],
    )
    def body(vals_hbm, idx_hbm, out_hbm, idx_v, rows_v, sem):
        wid = lax.axis_index("s") * info.num_cores + lax.axis_index("c")
        base = wid * bpw
        pltpu.sync_copy(idx_hbm.at[pl.ds(base, bpw)], idx_v)
        pltpu.sync_copy(vals_hbm.at[pl.ds(base, bpw)], rows_v)
        pltpu.async_copy(rows_v, out_hbm.at[idx_v], sem).wait()

    return body(vals, idx)


def _block_kernel(ss_ref, sc_ref, tg_ref, tgt_ref, x_ref, tw_ref, tbias_ref,
                  w_ref, bb_ref, out_ref):
    b = pl.program_id(0)
    x = x_ref[...]
    tgt = tgt_ref[...]
    cls = tgt // _PER
    within = tgt % _PER

    tl = jnp.dot(x, tw_ref[...], preferred_element_type=jnp.float32)
    tl = tl + tbias_ref[0]
    tl = tl - jnp.max(tl, axis=1, keepdims=True)
    e = jnp.exp(tl)
    sel_c = lax.broadcasted_iota(jnp.int32, e.shape, 1) == cls
    pclass = (jnp.sum(jnp.where(sel_c, e, 0.0), axis=1, keepdims=True)
              / jnp.sum(e, axis=1, keepdims=True))

    sel_w = lax.broadcasted_iota(jnp.int32, (_BT, _PER), 1) == within
    t0 = ss_ref[b]
    n = sc_ref[b]

    def chain(g):
        w = w_ref[g]
        bl = jnp.dot(x, w, preferred_element_type=jnp.float32)
        bl = bl + bb_ref[g]
        bl = bl - jnp.max(bl, axis=1, keepdims=True)
        eb = jnp.exp(bl)
        return (jnp.sum(jnp.where(sel_w, eb, 0.0), axis=1, keepdims=True)
                / jnp.sum(eb, axis=1, keepdims=True))

    def seg4(s, acc):
        g1 = tg_ref[t0 + 4 * s]
        g2 = tg_ref[t0 + jnp.minimum(4 * s + 1, n - 1)]
        g3 = tg_ref[t0 + jnp.minimum(4 * s + 2, n - 1)]
        g4 = tg_ref[t0 + jnp.minimum(4 * s + 3, n - 1)]
        pw1 = chain(g1)
        pw2 = chain(g2)
        pw3 = chain(g3)
        pw4 = chain(g4)
        acc = jnp.where(cls == g1, pclass * pw1, acc)
        acc = jnp.where(cls == g2, pclass * pw2, acc)
        acc = jnp.where(cls == g3, pclass * pw3, acc)
        return jnp.where(cls == g4, pclass * pw4, acc)

    acc = lax.fori_loop(0, (n + 3) // 4, seg4,
                        jnp.zeros((_BT, 1), jnp.float32))
    out_ref[...] = jnp.broadcast_to(acc, (_BT, _OUTW))


def _tile_metadata(scls, n_blocks):
    t_max = n_blocks + _NCLS - 1
    classes = jnp.arange(_NCLS, dtype=jnp.int32)
    starts = jnp.searchsorted(scls, classes, side='left').astype(jnp.int32)
    ends = jnp.searchsorted(scls, classes, side='right').astype(jnp.int32)
    counts = ends - starts
    block_start = starts // _BT
    block_end = jnp.where(counts > 0, (ends - 1) // _BT + 1, block_start)
    tiles_g = block_end - block_start
    tile_off = jnp.concatenate(
        [jnp.zeros((1,), jnp.int32), jnp.cumsum(tiles_g).astype(jnp.int32)])
    total = tile_off[-1]
    tids = jnp.arange(t_max, dtype=jnp.int32)
    g_of_t = jnp.clip(
        jnp.searchsorted(tile_off, tids, side='right').astype(jnp.int32) - 1,
        0, _NCLS - 1)
    b_of_t = block_start[g_of_t] + (tids - tile_off[g_of_t])
    b_of_t = jnp.clip(b_of_t, 0, n_blocks - 1)
    valid = tids < total
    tb_v = jnp.where(valid, b_of_t, n_blocks)
    blocks = jnp.arange(n_blocks, dtype=jnp.int32)
    seg_start = jnp.searchsorted(tb_v, blocks, side='left').astype(jnp.int32)
    seg_cnt = (jnp.searchsorted(tb_v, blocks, side='right').astype(jnp.int32)
               - seg_start)
    tile_group = jnp.where(valid, g_of_t, 0)
    return seg_start, seg_cnt, tile_group


def kernel(x, target, top_weights, top_bias, bottom_weights, bottom_bias):
    Bq, Tq, D = x.shape
    N = Bq * Tq
    n_blocks = N // _BT
    t_max = n_blocks + _NCLS - 1

    xb = x.reshape(N, D)
    tgt = target.reshape(N).astype(jnp.int32)
    cls = tgt // _PER

    sort_idx = jnp.argsort(cls).astype(jnp.int32)
    scls = cls[sort_idx]
    seg_start, seg_cnt, tile_group = _tile_metadata(scls, n_blocks)

    xs = _sc_row_gather(xb, sort_idx)
    tgt_s = jnp.take(tgt, sort_idx).reshape(N, 1)

    tbias = top_bias.reshape(1, 1, _NCLS)
    bb = bottom_bias.reshape(_NCLS, 1, _PER)

    grid_spec = pltpu.PrefetchScalarGridSpec(
        num_scalar_prefetch=3,
        grid=(n_blocks,),
        in_specs=[
            pl.BlockSpec((_BT, 1), lambda b, ss, sc, tg: (b, 0)),
            pl.BlockSpec((_BT, D), lambda b, ss, sc, tg: (b, 0)),
            pl.BlockSpec((D, _NCLS), lambda b, ss, sc, tg: (0, 0)),
            pl.BlockSpec((1, 1, _NCLS), lambda b, ss, sc, tg: (0, 0, 0)),
            pl.BlockSpec((_NCLS, D, _PER), lambda b, ss, sc, tg: (0, 0, 0)),
            pl.BlockSpec((_NCLS, 1, _PER), lambda b, ss, sc, tg: (0, 0, 0)),
        ],
        out_specs=pl.BlockSpec((_BT, _OUTW), lambda b, ss, sc, tg: (b, 0)),
    )
    out_s = pl.pallas_call(
        _block_kernel,
        grid_spec=grid_spec,
        out_shape=jax.ShapeDtypeStruct((N, _OUTW), jnp.float32),
        compiler_params=pltpu.CompilerParams(
            vmem_limit_bytes=100 * 1024 * 1024),
    )(seg_start, seg_cnt, tile_group, tgt_s, xs, top_weights, tbias,
      bottom_weights, bb)

    out = _sc_unroute(out_s, sort_idx)
    return out[:, :1].reshape(Bq, Tq, 1)

# --- scband reference (transcript-rebuilt; emitter-appended) ---
"""Pipeline reference for scband-time-distributed-hierarchical-softmax-38465727103178 (READ-ONLY COPY).

The authoritative reference and input builder live on the scoring server;
editing this copy changes nothing except your own understanding.
"""

import jax, jax.numpy as jnp
import numpy as np

TOTAL_OUTPUTS = 10000
PER_CLASS = 100
N_CLASSES = 100  # ceil(10000 / 100)
D_MODEL = 1024
B, T = 1, 2048


def _glorot(key, shape):
    fan_in, fan_out = shape[-2], shape[-1]
    limit = np.sqrt(6.0 / (fan_in + fan_out))
    return jax.random.uniform(key, shape, dtype=jnp.float32, minval=-limit, maxval=limit)


def setup_inputs(seed: int = 0) -> dict:
    key = jax.random.key(seed)
    k1, k2, k3, k4 = jax.random.split(key, 4)
    x = jax.random.normal(k1, (B, T, D_MODEL), dtype=jnp.float32)
    target = jax.random.randint(k2, (B, T), 0, TOTAL_OUTPUTS, dtype=jnp.int64 if jax.config.jax_enable_x64 else jnp.int32)
    top_weights = _glorot(k3, (D_MODEL, N_CLASSES))
    top_bias = jnp.zeros((N_CLASSES,), dtype=jnp.float32)
    bottom_weights = _glorot(k4, (N_CLASSES, D_MODEL, PER_CLASS))
    bottom_bias = jnp.zeros((N_CLASSES, PER_CLASS), dtype=jnp.float32)
    return {
        "x": x,
        "target": target,
        "top_weights": top_weights,
        "top_bias": top_bias,
        "bottom_weights": bottom_weights,
        "bottom_bias": bottom_bias,
    }


def reference(x, target, top_weights, top_bias, bottom_weights, bottom_bias):
    # Faithful translation of theano.tensor.nnet.h_softmax with a target,
    # wrapped by TimeDistributedHierarchicalSoftmax (flatten time, run hsm, reshape back).
    Bq, Tq, D = x.shape
    N = Bq * Tq
    xb = x.reshape(N, D)
    t = target.reshape(N)

    # Top level: p(class | x)
    top_logits = xb @ top_weights + top_bias  # (N, n_classes)
    top_p = jax.nn.softmax(top_logits, axis=-1)

    cls = t // PER_CLASS          # (N,) which top-level class
    within = t % PER_CLASS        # (N,) index within the class

    # Bottom level: gather per-example class weights and compute p(word | class, x)
    W2 = jnp.take(bottom_weights, cls, axis=0)   # (N, D, per_class)
    b2 = jnp.take(bottom_bias, cls, axis=0)      # (N, per_class)
    bot_logits = jnp.einsum('nd,ndp->np', xb, W2) + b2
    bot_p = jax.nn.softmax(bot_logits, axis=-1)

    n_idx = jnp.arange(N)
    p_class = top_p[n_idx, cls]
    p_within = bot_p[n_idx, within]
    px = p_class * p_within  # (N,) probability of the target word

    return px.reshape(Bq, Tq, -1)  # (B, T, 1), matching keras reshape with target

if __name__ == "__main__":
    import jax
    _d = setup_inputs()
    print(jax.jit(kernel)(*tuple(_d.values())))

</pallas_src>

<mosaic_0001>
#map = affine_map<(d0, d1) -> (0, 0)>
#map1 = affine_map<(d0, d1) -> (0)>
module attributes {stable_mosaic.version = 14 : i64} {
  func.func @body(%arg0: i32, %arg1: i32, %arg2: memref<2048x128xf32, #tpu.memory_space<hbm>>, %arg3: memref<2048xi32, #tpu.memory_space<hbm>>, %arg4: memref<2048x128xf32, #tpu.memory_space<hbm>>, %arg5: memref<64xi32, #tpu.memory_space<vmem>>, %arg6: memref<64x128xf32, #tpu.memory_space<vmem>>, %arg7: memref<!tpu.dma_semaphore, #tpu.memory_space<semaphore_mem>>) attributes {dimension_semantics = [#tpu.dimension_semantics<core_parallel>, #tpu.dimension_semantics<subcore_parallel>], iteration_bounds = array<i64: 2, 16>, scalar_prefetch = 0 : i64, scratch_operands = 3 : i64, tpu.core_type = #tpu.core_type<sc_vector_subcore>, window_params = [{transform_indices = #map}, {transform_indices = #map1}, {transform_indices = #map}]} {
    %mul3A = arith.constant 2 : i32
    %mul3A_0 = arith.muli %arg1, %mul3A : i32
    %add3A = arith.addi %mul3A_0, %arg0 : i32
    %mul3A_1 = arith.constant 64 : i32
    %mul3A_2 = arith.muli %add3A, %mul3A_1 : i32
    "tpu.region"() ({
      %run_scoped3A = tpu.sem_alloc : memref<!tpu.dma_semaphore, #tpu.memory_space<semaphore_mem>>
      %dma_start3A_7 = tpu.memref_slice %arg3[%mul3A_2] : memref<2048xi32, #tpu.memory_space<hbm>> -> memref<64xi32, #tpu.memory_space<hbm>>
      %dma_start3A_8 = tpu.memref_slice %arg3[%mul3A_2] : memref<2048xi32, #tpu.memory_space<hbm>> -> memref<64xi32, #tpu.memory_space<hbm>>
      tpu.enqueue_dma source(%dma_start3A_8 : memref<64xi32, #tpu.memory_space<hbm>>) target(%arg5 : memref<64xi32, #tpu.memory_space<vmem>>) target_semaphore(%run_scoped3A : memref<!tpu.dma_semaphore, #tpu.memory_space<semaphore_mem>>)
      %dma_wait3A_9 = tpu.memref_slice %arg3[%mul3A_2] : memref<2048xi32, #tpu.memory_space<hbm>> -> memref<64xi32, #tpu.memory_space<hbm>>
      %dma_wait3A_10 = tpu.memref_slice %arg3[%mul3A_2] : memref<2048xi32, #tpu.memory_space<hbm>> -> memref<64xi32, #tpu.memory_space<hbm>>
      tpu.wait_dma2 semaphore(%run_scoped3A : memref<!tpu.dma_semaphore, #tpu.memory_space<semaphore_mem>>) src(%dma_wait3A_10 : memref<64xi32, #tpu.memory_space<hbm>>) dst(%arg5 : memref<64xi32, #tpu.memory_space<vmem>>)
      tpu.yield
    }) : () -> ()
    "tpu.region"() ({
      %run_scoped3A = tpu.sem_alloc : memref<!tpu.dma_semaphore, #tpu.memory_space<semaphore_mem>>
      %dma_start3A_7 = arith.constant 0 : i32
      %dma_start3A_8 = tpu.memref_slice %arg2[%mul3A_2, %dma_start3A_7] : memref<2048x128xf32, #tpu.memory_space<hbm>> -> memref<64x128xf32, #tpu.memory_space<hbm>>
      %dma_start3A_9 = arith.constant 0 : i32
      %dma_start3A_10 = tpu.memref_slice %arg2[%mul3A_2, %dma_start3A_9] : memref<2048x128xf32, #tpu.memory_space<hbm>> -> memref<64x128xf32, #tpu.memory_space<hbm>>
      tpu.enqueue_dma source(%dma_start3A_10 : memref<64x128xf32, #tpu.memory_space<hbm>>) target(%arg6 : memref<64x128xf32, #tpu.memory_space<vmem>>) target_semaphore(%run_scoped3A : memref<!tpu.dma_semaphore, #tpu.memory_space<semaphore_mem>>)
      %dma_wait3A_11 = arith.constant 0 : i32
      %dma_wait3A_12 = tpu.memref_slice %arg2[%mul3A_2, %dma_wait3A_11] : memref<2048x128xf32, #tpu.memory_space<hbm>> -> memref<64x128xf32, #tpu.memory_space<hbm>>
      %dma_wait3A_13 = arith.constant 0 : i32
      %dma_wait3A_14 = tpu.memref_slice %arg2[%mul3A_2, %dma_wait3A_13] : memref<2048x128xf32, #tpu.memory_space<hbm>> -> memref<64x128xf32, #tpu.memory_space<hbm>>
      tpu.wait_dma2 semaphore(%run_scoped3A : memref<!tpu.dma_semaphore, #tpu.memory_space<semaphore_mem>>) src(%dma_wait3A_14 : memref<64x128xf32, #tpu.memory_space<hbm>>) dst(%arg6 : memref<64x128xf32, #tpu.memory_space<vmem>>)
      tpu.yield
    }) : () -> ()
    %dma_start3A = arith.constant 0 : i32
    %dma_start3A_3 = arith.constant 0 : i32
    %dma_start3A_4 = tpu.memref_slice %arg4[%dma_start3A, %dma_start3A_3] : memref<2048x128xf32, #tpu.memory_space<hbm>> -> memref<2048x128xf32, #tpu.memory_space<hbm>>
    tpu.enqueue_indirect_dma source(%arg6 : memref<64x128xf32, #tpu.memory_space<vmem>>) target(%dma_start3A_4 : memref<2048x128xf32, #tpu.memory_space<hbm>>) offsets(%arg5 : memref<64xi32, #tpu.memory_space<vmem>>) semaphore(%arg7 : memref<!tpu.dma_semaphore, #tpu.memory_space<semaphore_mem>>)
    %dma_wait3A = arith.constant 0 : i32
    %dma_wait3A_5 = arith.constant 0 : i32
    %dma_wait3A_6 = tpu.memref_slice %arg4[%dma_wait3A, %dma_wait3A_5] : memref<2048x128xf32, #tpu.memory_space<hbm>> -> memref<2048x128xf32, #tpu.memory_space<hbm>>
    tpu.wait_indirect_dma semaphore(%arg7 : memref<!tpu.dma_semaphore, #tpu.memory_space<semaphore_mem>>) src(%arg6 : memref<64x128xf32, #tpu.memory_space<vmem>>) dst(%dma_wait3A_6 : memref<2048x128xf32, #tpu.memory_space<hbm>>)
    return
  }
}

#map = affine_map<(d0, d1) -> (0, 0)>
#map1 = affine_map<(d0, d1) -> (0)>
module attributes {stable_mosaic.version = 14 : i64} {
  func.func @body(%arg0: i32, %arg1: i32, %arg2: memref<2048x1024xf32, #tpu.memory_space<hbm>>, %arg3: memref<2048xi32, #tpu.memory_space<hbm>>, %arg4: memref<2048x1024xf32, #tpu.memory_space<hbm>>, %arg5: memref<64xi32, #tpu.memory_space<vmem>>, %arg6: memref<64x1024xf32, #tpu.memory_space<vmem>>, %arg7: memref<!tpu.dma_semaphore, #tpu.memory_space<semaphore_mem>>) attributes {dimension_semantics = [#tpu.dimension_semantics<core_parallel>, #tpu.dimension_semantics<subcore_parallel>], iteration_bounds = array<i64: 2, 16>, scalar_prefetch = 0 : i64, scratch_operands = 3 : i64, tpu.core_type = #tpu.core_type<sc_vector_subcore>, window_params = [{transform_indices = #map}, {transform_indices = #map1}, {transform_indices = #map}]} {
    %mul3A = arith.constant 2 : i32
    %mul3A_0 = arith.muli %arg1, %mul3A : i32
    %add3A = arith.addi %mul3A_0, %arg0 : i32
    %mul3A_1 = arith.constant 64 : i32
    %mul3A_2 = arith.muli %add3A, %mul3A_1 : i32
    "tpu.region"() ({
      %run_scoped3A = tpu.sem_alloc : memref<!tpu.dma_semaphore, #tpu.memory_space<semaphore_mem>>
      %dma_start3A_7 = tpu.memref_slice %arg3[%mul3A_2] : memref<2048xi32, #tpu.memory_space<hbm>> -> memref<64xi32, #tpu.memory_space<hbm>>
      %dma_start3A_8 = tpu.memref_slice %arg3[%mul3A_2] : memref<2048xi32, #tpu.memory_space<hbm>> -> memref<64xi32, #tpu.memory_space<hbm>>
      tpu.enqueue_dma source(%dma_start3A_8 : memref<64xi32, #tpu.memory_space<hbm>>) target(%arg5 : memref<64xi32, #tpu.memory_space<vmem>>) target_semaphore(%run_scoped3A : memref<!tpu.dma_semaphore, #tpu.memory_space<semaphore_mem>>)
      %dma_wait3A_9 = tpu.memref_slice %arg3[%mul3A_2] : memref<2048xi32, #tpu.memory_space<hbm>> -> memref<64xi32, #tpu.memory_space<hbm>>
      %dma_wait3A_10 = tpu.memref_slice %arg3[%mul3A_2] : memref<2048xi32, #tpu.memory_space<hbm>> -> memref<64xi32, #tpu.memory_space<hbm>>
      tpu.wait_dma2 semaphore(%run_scoped3A : memref<!tpu.dma_semaphore, #tpu.memory_space<semaphore_mem>>) src(%dma_wait3A_10 : memref<64xi32, #tpu.memory_space<hbm>>) dst(%arg5 : memref<64xi32, #tpu.memory_space<vmem>>)
      tpu.yield
    }) : () -> ()
    %dma_start3A = arith.constant 0 : i32
    %dma_start3A_3 = arith.constant 0 : i32
    %dma_start3A_4 = tpu.memref_slice %arg2[%dma_start3A, %dma_start3A_3] : memref<2048x1024xf32, #tpu.memory_space<hbm>> -> memref<2048x1024xf32, #tpu.memory_space<hbm>>
    tpu.enqueue_indirect_dma source(%dma_start3A_4 : memref<2048x1024xf32, #tpu.memory_space<hbm>>) target(%arg6 : memref<64x1024xf32, #tpu.memory_space<vmem>>) offsets(%arg5 : memref<64xi32, #tpu.memory_space<vmem>>) semaphore(%arg7 : memref<!tpu.dma_semaphore, #tpu.memory_space<semaphore_mem>>)
    %dma_wait3A = arith.constant 0 : i32
    %dma_wait3A_5 = arith.constant 0 : i32
    %dma_wait3A_6 = tpu.memref_slice %arg2[%dma_wait3A, %dma_wait3A_5] : memref<2048x1024xf32, #tpu.memory_space<hbm>> -> memref<2048x1024xf32, #tpu.memory_space<hbm>>
    tpu.wait_indirect_dma semaphore(%arg7 : memref<!tpu.dma_semaphore, #tpu.memory_space<semaphore_mem>>) src(%dma_wait3A_6 : memref<2048x1024xf32, #tpu.memory_space<hbm>>) dst(%arg6 : memref<64x1024xf32, #tpu.memory_space<vmem>>)
    "tpu.region"() ({
      %run_scoped3A = tpu.sem_alloc : memref<!tpu.dma_semaphore, #tpu.memory_space<semaphore_mem>>
      %dma_start3A_7 = arith.constant 0 : i32
      %dma_start3A_8 = tpu.memref_slice %arg4[%mul3A_2, %dma_start3A_7] : memref<2048x1024xf32, #tpu.memory_space<hbm>> -> memref<64x1024xf32, #tpu.memory_space<hbm>>
      %dma_start3A_9 = arith.constant 0 : i32
      %dma_start3A_10 = tpu.memref_slice %arg4[%mul3A_2, %dma_start3A_9] : memref<2048x1024xf32, #tpu.memory_space<hbm>> -> memref<64x1024xf32, #tpu.memory_space<hbm>>
      tpu.enqueue_dma source(%arg6 : memref<64x1024xf32, #tpu.memory_space<vmem>>) target(%dma_start3A_10 : memref<64x1024xf32, #tpu.memory_space<hbm>>) target_semaphore(%run_scoped3A : memref<!tpu.dma_semaphore, #tpu.memory_space<semaphore_mem>>)
      %dma_wait3A_11 = arith.constant 0 : i32
      %dma_wait3A_12 = tpu.memref_slice %arg4[%mul3A_2, %dma_wait3A_11] : memref<2048x1024xf32, #tpu.memory_space<hbm>> -> memref<64x1024xf32, #tpu.memory_space<hbm>>
      %dma_wait3A_13 = arith.constant 0 : i32
      %dma_wait3A_14 = tpu.memref_slice %arg4[%mul3A_2, %dma_wait3A_13] : memref<2048x1024xf32, #tpu.memory_space<hbm>> -> memref<64x1024xf32, #tpu.memory_space<hbm>>
      tpu.wait_dma2 semaphore(%run_scoped3A : memref<!tpu.dma_semaphore, #tpu.memory_space<semaphore_mem>>) src(%arg6 : memref<64x1024xf32, #tpu.memory_space<vmem>>) dst(%dma_wait3A_14 : memref<64x1024xf32, #tpu.memory_space<hbm>>)
      tpu.yield
    }) : () -> ()
    return
  }
}

module attributes {stable_mosaic.version = 14 : i64} {
  func.func @_block_kernel(%arg0: i32, %arg1: memref<16xi32, #tpu.memory_space<smem>>, %arg2: memref<16xi32, #tpu.memory_space<smem>>, %arg3: memref<115xi32, #tpu.memory_space<smem>>, %arg4: memref<128x1xi32, #tpu.memory_space<vmem>>, %arg5: memref<128x1024xf32, #tpu.memory_space<vmem>>, %arg6: memref<1024x100xf32, #tpu.memory_space<vmem>>, %arg7: memref<1x1x100xf32, #tpu.memory_space<vmem>>, %arg8: memref<100x1024x100xf32, #tpu.memory_space<vmem>>, %arg9: memref<100x1x100xf32, #tpu.memory_space<vmem>>, %arg10: memref<128x128xf32, #tpu.memory_space<vmem>>) attributes {dimension_semantics = [#tpu.dimension_semantics<arbitrary>], iteration_bounds = array<i64: 16>, scalar_prefetch = 3 : i64, scratch_operands = 0 : i64, tpu.core_type = #tpu.core_type<tc>, window_params = [{transform_indices = @transform_0, window_bounds = array<i64: 128, 1>}, {transform_indices = @transform_1, window_bounds = array<i64: 128, 1024>}, {pipeline_mode = #tpu.pipeline_mode<synchronous>, transform_indices = @transform_2, window_bounds = array<i64: 1024, 100>}, {pipeline_mode = #tpu.pipeline_mode<synchronous>, transform_indices = @transform_3, window_bounds = array<i64: 1, 1, 100>}, {pipeline_mode = #tpu.pipeline_mode<synchronous>, transform_indices = @transform_4, window_bounds = array<i64: 100, 1024, 100>}, {pipeline_mode = #tpu.pipeline_mode<synchronous>, transform_indices = @transform_5, window_bounds = array<i64: 100, 1, 100>}, {transform_indices = @transform_6, window_bounds = array<i64: 128, 128>}]} {
    %get3A = arith.constant 0 : index
    %get3A_0 = arith.constant 0 : index
    %get3A_1 = vector.load %arg5[%get3A, %get3A_0] : memref<128x1024xf32, #tpu.memory_space<vmem>>, vector<128x1024xf32>
    %get3A_2 = arith.constant 0 : index
    %get3A_3 = arith.constant 0 : index
    %get3A_4 = vector.load %arg4[%get3A_2, %get3A_3] : memref<128x1xi32, #tpu.memory_space<vmem>>, vector<128x1xi32>
    %jit3A = arith.constant 100 : i32
    %div3A = vector.broadcast %jit3A : i32 to vector<128x1xi32>
    %div3A_5 = arith.divsi %get3A_4, %div3A : vector<128x1xi32>
    %sign3A = arith.constant 0 : i32
    %sign3A_6 = vector.broadcast %sign3A : i32 to vector<128x1xi32>
    %sign3A_7 = arith.cmpi sgt, %get3A_4, %sign3A_6 : vector<128x1xi32>
    %sign3A_8 = arith.extui %sign3A_7 : vector<128x1xi1> to vector<128x1xi32>
    %sign3A_9 = arith.constant 0 : i32
    %sign3A_10 = vector.broadcast %sign3A_9 : i32 to vector<128x1xi32>
    %sign3A_11 = arith.cmpi slt, %get3A_4, %sign3A_10 : vector<128x1xi32>
    %sign3A_12 = arith.extui %sign3A_11 : vector<128x1xi1> to vector<128x1xi32>
    %sign3A_13 = arith.subi %sign3A_8, %sign3A_12 : vector<128x1xi32>
    %sign3A_14 = arith.constant 0 : i32
    %sign3A_15 = arith.cmpi sgt, %jit3A, %sign3A_14 : i32
    %sign3A_16 = arith.extui %sign3A_15 : i1 to i32
    %sign3A_17 = arith.constant 0 : i32
    %sign3A_18 = arith.cmpi slt, %jit3A, %sign3A_17 : i32
    %sign3A_19 = arith.extui %sign3A_18 : i1 to i32
    %sign3A_20 = arith.subi %sign3A_16, %sign3A_19 : i32
    %ne3A = vector.broadcast %sign3A_20 : i32 to vector<128x1xi32>
    %ne3A_21 = arith.cmpi ne, %sign3A_13, %ne3A : vector<128x1xi32>
    %rem3A = vector.broadcast %jit3A : i32 to vector<128x1xi32>
    %rem3A_22 = arith.remsi %get3A_4, %rem3A : vector<128x1xi32>
    %ne3A_23 = arith.constant 0 : i32
    %ne3A_24 = vector.broadcast %ne3A_23 : i32 to vector<128x1xi32>
    %ne3A_25 = arith.cmpi ne, %rem3A_22, %ne3A_24 : vector<128x1xi32>
    %and3A = arith.andi %ne3A_21, %ne3A_25 : vector<128x1xi1>
    %sub3A = arith.constant 1 : i32
    %sub3A_26 = vector.broadcast %sub3A : i32 to vector<128x1xi32>
    %sub3A_27 = arith.subi %div3A_5, %sub3A_26 : vector<128x1xi32>
    %select_n3A = arith.select %and3A, %sub3A_27, %div3A_5 : vector<128x1xi1>, vector<128x1xi32>
    %jit3A_28 = arith.constant 100 : i32
    %eq3A = arith.constant 0 : i32
    %eq3A_29 = arith.cmpi eq, %jit3A_28, %eq3A : i32
    %jit3A_30 = arith.constant 1 : i32
    %select_n3A_31 = arith.select %eq3A_29, %jit3A_30, %jit3A_28 : i32
    %rem3A_32 = vector.broadcast %select_n3A_31 : i32 to vector<128x1xi32>
    %rem3A_33 = arith.remsi %get3A_4, %rem3A_32 : vector<128x1xi32>
    %ne3A_34 = arith.constant 0 : i32
    %ne3A_35 = vector.broadcast %ne3A_34 : i32 to vector<128x1xi32>
    %ne3A_36 = arith.cmpi ne, %rem3A_33, %ne3A_35 : vector<128x1xi32>
    %lt3A = arith.constant 0 : i32
    %lt3A_37 = vector.broadcast %lt3A : i32 to vector<128x1xi32>
    %lt3A_38 = arith.cmpi slt, %rem3A_33, %lt3A_37 : vector<128x1xi32>
    %lt3A_39 = arith.constant 0 : i32
    %lt3A_40 = arith.cmpi slt, %select_n3A_31, %lt3A_39 : i32
    %ne3A_41 = vector.broadcast %lt3A_40 : i1 to vector<128x1xi1>
    %ne3A_42 = vector.broadcast %ne3A_41 : vector<128x1xi1> to vector<128x1xi1>
    %ne3A_43 = arith.xori %lt3A_38, %ne3A_42 : vector<128x1xi1>
    %and3A_44 = arith.andi %ne3A_43, %ne3A_36 : vector<128x1xi1>
    %add3A = vector.broadcast %select_n3A_31 : i32 to vector<128x1xi32>
    %add3A_45 = arith.addi %rem3A_33, %add3A : vector<128x1xi32>
    %select_n3A_46 = arith.select %and3A_44, %add3A_45, %rem3A_33 : vector<128x1xi1>, vector<128x1xi32>
    %get3A_47 = arith.constant 0 : index
    %get3A_48 = arith.constant 0 : index
    %get3A_49 = vector.load %arg6[%get3A_47, %get3A_48] : memref<1024x100xf32, #tpu.memory_space<vmem>>, vector<1024x100xf32>
    %dot_general3A = arith.constant dense<0.000000e+00> : vector<128x100xf32>
    %dot_general3A_50 = tpu.matmul %get3A_1, %get3A_49, %dot_general3A {dimension_numbers = #tpu.dot_dimension_numbers<[1], [0], [0], [1], [0, 0, 1, 1], [], []>, transpose_lhs_hint = false} : vector<128x1024xf32>, vector<1024x100xf32>, vector<128x100xf32> -> vector<128x100xf32>
    %get3A_51 = arith.constant 0 : index
    %get3A_52 = arith.constant 0 : index
    %get3A_53 = arith.constant 0 : index
    %get3A_54 = vector.load %arg7[%get3A_51, %get3A_52, %get3A_53] : memref<1x1x100xf32, #tpu.memory_space<vmem>>, vector<1x1x100xf32>
    %get3A_55 = vector.shape_cast %get3A_54 : vector<1x1x100xf32> to vector<1x100xf32>
    %add3A_56 = vector.broadcast %get3A_55 : vector<1x100xf32> to vector<128x100xf32>
    %add3A_57 = arith.addf %dot_general3A_50, %add3A_56 : vector<128x100xf32>
    %reduce_max3A = arith.constant dense<0xFF800000> : vector<128xf32>
    %reduce_max3A_58 = vector.multi_reduction <maximumf>, %add3A_57, %reduce_max3A [1] : vector<128x100xf32> to vector<128xf32>
    %broadcast_in_dim3A = vector.shape_cast %reduce_max3A_58 : vector<128xf32> to vector<128x1xf32>
    %sub3A_59 = vector.broadcast %broadcast_in_dim3A : vector<128x1xf32> to vector<128x100xf32>
    %sub3A_60 = arith.subf %add3A_57, %sub3A_59 : vector<128x100xf32>
    %exp3A = math.exp %sub3A_60 : vector<128x100xf32>
    %iota3A = tpu.iota {dimensions = array<i32: 1>} : vector<128x100xi32>
    %eq3A_61 = vector.broadcast %select_n3A : vector<128x1xi32> to vector<128x100xi32>
    %eq3A_62 = arith.cmpi eq, %iota3A, %eq3A_61 : vector<128x100xi32>
    %jit3A_63 = arith.constant 0.000000e+00 : f32
    %broadcast_in_dim3A_64 = vector.broadcast %jit3A_63 : f32 to vector<128x100xf32>
    %select_n3A_65 = arith.select %eq3A_62, %exp3A, %broadcast_in_dim3A_64 : vector<128x100xi1>, vector<128x100xf32>
    %reduce_sum3A = arith.constant dense<0.000000e+00> : vector<128xf32>
    %reduce_sum3A_66 = vector.multi_reduction <add>, %select_n3A_65, %reduce_sum3A [1] : vector<128x100xf32> to vector<128xf32>
    %broadcast_in_dim3A_67 = vector.shape_cast %reduce_sum3A_66 : vector<128xf32> to vector<128x1xf32>
    %reduce_sum3A_68 = arith.constant dense<0.000000e+00> : vector<128xf32>
    %reduce_sum3A_69 = vector.multi_reduction <add>, %exp3A, %reduce_sum3A_68 [1] : vector<128x100xf32> to vector<128xf32>
    %broadcast_in_dim3A_70 = vector.shape_cast %reduce_sum3A_69 : vector<128xf32> to vector<128x1xf32>
    %div3A_71 = arith.divf %broadcast_in_dim3A_67, %broadcast_in_dim3A_70 : vector<128x1xf32>
    %iota3A_72 = tpu.iota {dimensions = array<i32: 1>} : vector<128x100xi32>
    %eq3A_73 = vector.broadcast %select_n3A_46 : vector<128x1xi32> to vector<128x100xi32>
    %eq3A_74 = arith.cmpi eq, %iota3A_72, %eq3A_73 : vector<128x100xi32>
    %get3A_75 = arith.index_cast %arg0 : i32 to index
    %get3A_76 = memref.load %arg1[%get3A_75] : memref<16xi32, #tpu.memory_space<smem>>
    %get3A_77 = arith.index_cast %arg0 : i32 to index
    %get3A_78 = memref.load %arg2[%get3A_77] : memref<16xi32, #tpu.memory_space<smem>>
    %add3A_79 = arith.constant 3 : i32
    %add3A_80 = arith.addi %get3A_78, %add3A_79 : i32
    %jit3A_81 = arith.constant 4 : i32
    %div3A_82 = arith.divsi %add3A_80, %jit3A_81 : i32
    %sign3A_83 = arith.constant 0 : i32
    %sign3A_84 = arith.cmpi sgt, %add3A_80, %sign3A_83 : i32
    %sign3A_85 = arith.extui %sign3A_84 : i1 to i32
    %sign3A_86 = arith.constant 0 : i32
    %sign3A_87 = arith.cmpi slt, %add3A_80, %sign3A_86 : i32
    %sign3A_88 = arith.extui %sign3A_87 : i1 to i32
    %sign3A_89 = arith.subi %sign3A_85, %sign3A_88 : i32
    %sign3A_90 = arith.constant 0 : i32
    %sign3A_91 = arith.cmpi sgt, %jit3A_81, %sign3A_90 : i32
    %sign3A_92 = arith.extui %sign3A_91 : i1 to i32
    %sign3A_93 = arith.constant 0 : i32
    %sign3A_94 = arith.cmpi slt, %jit3A_81, %sign3A_93 : i32
    %sign3A_95 = arith.extui %sign3A_94 : i1 to i32
    %sign3A_96 = arith.subi %sign3A_92, %sign3A_95 : i32
    %ne3A_97 = arith.cmpi ne, %sign3A_89, %sign3A_96 : i32
    %rem3A_98 = arith.remsi %add3A_80, %jit3A_81 : i32
    %ne3A_99 = arith.constant 0 : i32
    %ne3A_100 = arith.cmpi ne, %rem3A_98, %ne3A_99 : i32
    %and3A_101 = arith.andi %ne3A_97, %ne3A_100 : i1
    %sub3A_102 = arith.constant 1 : i32
    %sub3A_103 = arith.subi %div3A_82, %sub3A_102 : i32
    %select_n3A_104 = arith.select %and3A_101, %sub3A_103, %div3A_82 : i32
    %broadcast_in_dim3A_105 = arith.constant 0.000000e+00 : f32
    %broadcast_in_dim3A_106 = vector.broadcast %broadcast_in_dim3A_105 : f32 to vector<128x1xf32>
    %while3A = arith.constant 0 : i32
    %while3A_107 = arith.subi %select_n3A_104, %while3A : i32
    %while3A_108 = arith.addi %while3A, %while3A_107 : i32
    %while3A_109 = arith.constant 1 : i32
    %while3A_110 = arith.divsi %while3A_107, %while3A_109 : i32
    %while3A_111 = arith.muli %while3A_110, %while3A_109 : i32
    %while3A_112 = arith.addi %while3A, %while3A_111 : i32
    %while3A_113 = arith.constant 1 : i32
    %while3A_114 = scf.for %while3A_121 = %while3A to %while3A_112 step %while3A_113 iter_args(%while3A_122 = %broadcast_in_dim3A_106) -> (vector<128x1xf32>)  : i32 {
      %mul3A = arith.constant 4 : i32
      %mul3A_123 = arith.muli %mul3A, %while3A_121 : i32
      %add3A_124 = arith.addi %get3A_76, %mul3A_123 : i32
      %get3A_125 = arith.index_cast %add3A_124 : i32 to index
      %get3A_126 = memref.load %arg3[%get3A_125] : memref<115xi32, #tpu.memory_space<smem>>
      %mul3A_127 = arith.constant 4 : i32
      %mul3A_128 = arith.muli %mul3A_127, %while3A_121 : i32
      %add3A_129 = arith.constant 1 : i32
      %add3A_130 = arith.addi %mul3A_128, %add3A_129 : i32
      %sub3A_131 = arith.constant 1 : i32
      %sub3A_132 = arith.subi %get3A_78, %sub3A_131 : i32
      %min3A = arith.minsi %add3A_130, %sub3A_132 : i32
      %add3A_133 = arith.addi %get3A_76, %min3A : i32
      %get3A_134 = arith.index_cast %add3A_133 : i32 to index
      %get3A_135 = memref.load %arg3[%get3A_134] : memref<115xi32, #tpu.memory_space<smem>>
      %mul3A_136 = arith.constant 4 : i32
      %mul3A_137 = arith.muli %mul3A_136, %while3A_121 : i32
      %add3A_138 = arith.constant 2 : i32
      %add3A_139 = arith.addi %mul3A_137, %add3A_138 : i32
      %sub3A_140 = arith.constant 1 : i32
      %sub3A_141 = arith.subi %get3A_78, %sub3A_140 : i32
      %min3A_142 = arith.minsi %add3A_139, %sub3A_141 : i32
      %add3A_143 = arith.addi %get3A_76, %min3A_142 : i32
      %get3A_144 = arith.index_cast %add3A_143 : i32 to index
      %get3A_145 = memref.load %arg3[%get3A_144] : memref<115xi32, #tpu.memory_space<smem>>
      %mul3A_146 = arith.constant 4 : i32
      %mul3A_147 = arith.muli %mul3A_146, %while3A_121 : i32
      %add3A_148 = arith.constant 3 : i32
      %add3A_149 = arith.addi %mul3A_147, %add3A_148 : i32
      %sub3A_150 = arith.constant 1 : i32
      %sub3A_151 = arith.subi %get3A_78, %sub3A_150 : i32
      %min3A_152 = arith.minsi %add3A_149, %sub3A_151 : i32
      %add3A_153 = arith.addi %get3A_76, %min3A_152 : i32
      %get3A_154 = arith.index_cast %add3A_153 : i32 to index
      %get3A_155 = memref.load %arg3[%get3A_154] : memref<115xi32, #tpu.memory_space<smem>>
      %get3A_156 = arith.index_cast %get3A_126 : i32 to index
      %get3A_157 = arith.constant 0 : index
      %get3A_158 = arith.constant 0 : index
      %get3A_159 = vector.load %arg8[%get3A_156, %get3A_157, %get3A_158] : memref<100x1024x100xf32, #tpu.memory_space<vmem>>, vector<1x1024x100xf32>
      %get3A_160 = vector.shape_cast %get3A_159 : vector<1x1024x100xf32> to vector<1024x100xf32>
      %dot_general3A_161 = arith.constant dense<0.000000e+00> : vector<128x100xf32>
      %dot_general3A_162 = tpu.matmul %get3A_1, %get3A_160, %dot_general3A_161 {dimension_numbers = #tpu.dot_dimension_numbers<[1], [0], [0], [1], [0, 0, 1, 1], [], []>, transpose_lhs_hint = false} : vector<128x1024xf32>, vector<1024x100xf32>, vector<128x100xf32> -> vector<128x100xf32>
      %get3A_163 = arith.index_cast %get3A_126 : i32 to index
      %get3A_164 = arith.constant 0 : index
      %get3A_165 = arith.constant 0 : index
      %get3A_166 = vector.load %arg9[%get3A_163, %get3A_164, %get3A_165] : memref<100x1x100xf32, #tpu.memory_space<vmem>>, vector<1x1x100xf32>
      %get3A_167 = vector.shape_cast %get3A_166 : vector<1x1x100xf32> to vector<1x100xf32>
      %add3A_168 = vector.broadcast %get3A_167 : vector<1x100xf32> to vector<128x100xf32>
      %add3A_169 = arith.addf %dot_general3A_162, %add3A_168 : vector<128x100xf32>
      %reduce_max3A_170 = arith.constant dense<0xFF800000> : vector<128xf32>
      %reduce_max3A_171 = vector.multi_reduction <maximumf>, %add3A_169, %reduce_max3A_170 [1] : vector<128x100xf32> to vector<128xf32>
      %broadcast_in_dim3A_172 = vector.shape_cast %reduce_max3A_171 : vector<128xf32> to vector<128x1xf32>
      %sub3A_173 = vector.broadcast %broadcast_in_dim3A_172 : vector<128x1xf32> to vector<128x100xf32>
      %sub3A_174 = arith.subf %add3A_169, %sub3A_173 : vector<128x100xf32>
      %exp3A_175 = math.exp %sub3A_174 : vector<128x100xf32>
      %jit3A_176 = arith.constant 0.000000e+00 : f32
      %broadcast_in_dim3A_177 = vector.broadcast %jit3A_176 : f32 to vector<128x100xf32>
      %select_n3A_178 = arith.select %eq3A_74, %exp3A_175, %broadcast_in_dim3A_177 : vector<128x100xi1>, vector<128x100xf32>
      %reduce_sum3A_179 = arith.constant dense<0.000000e+00> : vector<128xf32>
      %reduce_sum3A_180 = vector.multi_reduction <add>, %select_n3A_178, %reduce_sum3A_179 [1] : vector<128x100xf32> to vector<128xf32>
      %broadcast_in_dim3A_181 = vector.shape_cast %reduce_sum3A_180 : vector<128xf32> to vector<128x1xf32>
      %reduce_sum3A_182 = arith.constant dense<0.000000e+00> : vector<128xf32>
      %reduce_sum3A_183 = vector.multi_reduction <add>, %exp3A_175, %reduce_sum3A_182 [1] : vector<128x100xf32> to vector<128xf32>
      %broadcast_in_dim3A_184 = vector.shape_cast %reduce_sum3A_183 : vector<128xf32> to vector<128x1xf32>
      %div3A_185 = arith.divf %broadcast_in_dim3A_181, %broadcast_in_dim3A_184 : vector<128x1xf32>
      %get3A_186 = arith.index_cast %get3A_135 : i32 to index
      %get3A_187 = arith.constant 0 : index
      %get3A_188 = arith.constant 0 : index
      %get3A_189 = vector.load %arg8[%get3A_186, %get3A_187, %get3A_188] : memref<100x1024x100xf32, #tpu.memory_space<vmem>>, vector<1x1024x100xf32>
      %get3A_190 = vector.shape_cast %get3A_189 : vector<1x1024x100xf32> to vector<1024x100xf32>
      %dot_general3A_191 = arith.constant dense<0.000000e+00> : vector<128x100xf32>
      %dot_general3A_192 = tpu.matmul %get3A_1, %get3A_190, %dot_general3A_191 {dimension_numbers = #tpu.dot_dimension_numbers<[1], [0], [0], [1], [0, 0, 1, 1], [], []>, transpose_lhs_hint = false} : vector<128x1024xf32>, vector<1024x100xf32>, vector<128x100xf32> -> vector<128x100xf32>
      %get3A_193 = arith.index_cast %get3A_135 : i32 to index
      %get3A_194 = arith.constant 0 : index
      %get3A_195 = arith.constant 0 : index
      %get3A_196 = vector.load %arg9[%get3A_193, %get3A_194, %get3A_195] : memref<100x1x100xf32, #tpu.memory_space<vmem>>, vector<1x1x100xf32>
      %get3A_197 = vector.shape_cast %get3A_196 : vector<1x1x100xf32> to vector<1x100xf32>
      %add3A_198 = vector.broadcast %get3A_197 : vector<1x100xf32> to vector<128x100xf32>
      %add3A_199 = arith.addf %dot_general3A_192, %add3A_198 : vector<128x100xf32>
      %reduce_max3A_200 = arith.constant dense<0xFF800000> : vector<128xf32>
      %reduce_max3A_201 = vector.multi_reduction <maximumf>, %add3A_199, %reduce_max3A_200 [1] : vector<128x100xf32> to vector<128xf32>
      %broadcast_in_dim3A_202 = vector.shape_cast %reduce_max3A_201 : vector<128xf32> to vector<128x1xf32>
      %sub3A_203 = vector.broadcast %broadcast_in_dim3A_202 : vector<128x1xf32> to vector<128x100xf32>
      %sub3A_204 = arith.subf %add3A_199, %sub3A_203 : vector<128x100xf32>
      %exp3A_205 = math.exp %sub3A_204 : vector<128x100xf32>
      %jit3A_206 = arith.constant 0.000000e+00 : f32
      %broadcast_in_dim3A_207 = vector.broadcast %jit3A_206 : f32 to vector<128x100xf32>
      %select_n3A_208 = arith.select %eq3A_74, %exp3A_205, %broadcast_in_dim3A_207 : vector<128x100xi1>, vector<128x100xf32>
      %reduce_sum3A_209 = arith.constant dense<0.000000e+00> : vector<128xf32>
      %reduce_sum3A_210 = vector.multi_reduction <add>, %select_n3A_208, %reduce_sum3A_209 [1] : vector<128x100xf32> to vector<128xf32>
      %broadcast_in_dim3A_211 = vector.shape_cast %reduce_sum3A_210 : vector<128xf32> to vector<128x1xf32>
      %reduce_sum3A_212 = arith.constant dense<0.000000e+00> : vector<128xf32>
      %reduce_sum3A_213 = vector.multi_reduction <add>, %exp3A_205, %reduce_sum3A_212 [1] : vector<128x100xf32> to vector<128xf32>
      %broadcast_in_dim3A_214 = vector.shape_cast %reduce_sum3A_213 : vector<128xf32> to vector<128x1xf32>
      %div3A_215 = arith.divf %broadcast_in_dim3A_211, %broadcast_in_dim3A_214 : vector<128x1xf32>
      %get3A_216 = arith.index_cast %get3A_145 : i32 to index
      %get3A_217 = arith.constant 0 : index
      %get3A_218 = arith.constant 0 : index
      %get3A_219 = vector.load %arg8[%get3A_216, %get3A_217, %get3A_218] : memref<100x1024x100xf32, #tpu.memory_space<vmem>>, vector<1x1024x100xf32>
      %get3A_220 = vector.shape_cast %get3A_219 : vector<1x1024x100xf32> to vector<1024x100xf32>
      %dot_general3A_221 = arith.constant dense<0.000000e+00> : vector<128x100xf32>
      %dot_general3A_222 = tpu.matmul %get3A_1, %get3A_220, %dot_general3A_221 {dimension_numbers = #tpu.dot_dimension_numbers<[1], [0], [0], [1], [0, 0, 1, 1], [], []>, transpose_lhs_hint = false} : vector<128x1024xf32>, vector<1024x100xf32>, vector<128x100xf32> -> vector<128x100xf32>
      %get3A_223 = arith.index_cast %get3A_145 : i32 to index
      %get3A_224 = arith.constant 0 : index
      %get3A_225 = arith.constant 0 : index
      %get3A_226 = vector.load %arg9[%get3A_223, %get3A_224, %get3A_225] : memref<100x1x100xf32, #tpu.memory_space<vmem>>, vector<1x1x100xf32>
      %get3A_227 = vector.shape_cast %get3A_226 : vector<1x1x100xf32> to vector<1x100xf32>
      %add3A_228 = vector.broadcast %get3A_227 : vector<1x100xf32> to vector<128x100xf32>
      %add3A_229 = arith.addf %dot_general3A_222, %add3A_228 : vector<128x100xf32>
      %reduce_max3A_230 = arith.constant dense<0xFF800000> : vector<128xf32>
      %reduce_max3A_231 = vector.multi_reduction <maximumf>, %add3A_229, %reduce_max3A_230 [1] : vector<128x100xf32> to vector<128xf32>
      %broadcast_in_dim3A_232 = vector.shape_cast %reduce_max3A_231 : vector<128xf32> to vector<128x1xf32>
      %sub3A_233 = vector.broadcast %broadcast_in_dim3A_232 : vector<128x1xf32> to vector<128x100xf32>
      %sub3A_234 = arith.subf %add3A_229, %sub3A_233 : vector<128x100xf32>
      %exp3A_235 = math.exp %sub3A_234 : vector<128x100xf32>
      %jit3A_236 = arith.constant 0.000000e+00 : f32
      %broadcast_in_dim3A_237 = vector.broadcast %jit3A_236 : f32 to vector<128x100xf32>
      %select_n3A_238 = arith.select %eq3A_74, %exp3A_235, %broadcast_in_dim3A_237 : vector<128x100xi1>, vector<128x100xf32>
      %reduce_sum3A_239 = arith.constant dense<0.000000e+00> : vector<128xf32>
      %reduce_sum3A_240 = vector.multi_reduction <add>, %select_n3A_238, %reduce_sum3A_239 [1] : vector<128x100xf32> to vector<128xf32>
      %broadcast_in_dim3A_241 = vector.shape_cast %reduce_sum3A_240 : vector<128xf32> to vector<128x1xf32>
      %reduce_sum3A_242 = arith.constant dense<0.000000e+00> : vector<128xf32>
      %reduce_sum3A_243 = vector.multi_reduction <add>, %exp3A_235, %reduce_sum3A_242 [1] : vector<128x100xf32> to vector<128xf32>
      %broadcast_in_dim3A_244 = vector.shape_cast %reduce_sum3A_243 : vector<128xf32> to vector<128x1xf32>
      %div3A_245 = arith.divf %broadcast_in_dim3A_241, %broadcast_in_dim3A_244 : vector<128x1xf32>
      %get3A_246 = arith.index_cast %get3A_155 : i32 to index
      %get3A_247 = arith.constant 0 : index
      %get3A_248 = arith.constant 0 : index
      %get3A_249 = vector.load %arg8[%get3A_246, %get3A_247, %get3A_248] : memref<100x1024x100xf32, #tpu.memory_space<vmem>>, vector<1x1024x100xf32>
      %get3A_250 = vector.shape_cast %get3A_249 : vector<1x1024x100xf32> to vector<1024x100xf32>
      %dot_general3A_251 = arith.constant dense<0.000000e+00> : vector<128x100xf32>
      %dot_general3A_252 = tpu.matmul %get3A_1, %get3A_250, %dot_general3A_251 {dimension_numbers = #tpu.dot_dimension_numbers<[1], [0], [0], [1], [0, 0, 1, 1], [], []>, transpose_lhs_hint = false} : vector<128x1024xf32>, vector<1024x100xf32>, vector<128x100xf32> -> vector<128x100xf32>
      %get3A_253 = arith.index_cast %get3A_155 : i32 to index
      %get3A_254 = arith.constant 0 : index
      %get3A_255 = arith.constant 0 : index
      %get3A_256 = vector.load %arg9[%get3A_253, %get3A_254, %get3A_255] : memref<100x1x100xf32, #tpu.memory_space<vmem>>, vector<1x1x100xf32>
      %get3A_257 = vector.shape_cast %get3A_256 : vector<1x1x100xf32> to vector<1x100xf32>
      %add3A_258 = vector.broadcast %get3A_257 : vector<1x100xf32> to vector<128x100xf32>
      %add3A_259 = arith.addf %dot_general3A_252, %add3A_258 : vector<128x100xf32>
      %reduce_max3A_260 = arith.constant dense<0xFF800000> : vector<128xf32>
      %reduce_max3A_261 = vector.multi_reduction <maximumf>, %add3A_259, %reduce_max3A_260 [1] : vector<128x100xf32> to vector<128xf32>
      %broadcast_in_dim3A_262 = vector.shape_cast %reduce_max3A_261 : vector<128xf32> to vector<128x1xf32>
      %sub3A_263 = vector.broadcast %broadcast_in_dim3A_262 : vector<128x1xf32> to vector<128x100xf32>
      %sub3A_264 = arith.subf %add3A_259, %sub3A_263 : vector<128x100xf32>
      %exp3A_265 = math.exp %sub3A_264 : vector<128x100xf32>
      %jit3A_266 = arith.constant 0.000000e+00 : f32
      %broadcast_in_dim3A_267 = vector.broadcast %jit3A_266 : f32 to vector<128x100xf32>
      %select_n3A_268 = arith.select %eq3A_74, %exp3A_265, %broadcast_in_dim3A_267 : vector<128x100xi1>, vector<128x100xf32>
      %reduce_sum3A_269 = arith.constant dense<0.000000e+00> : vector<128xf32>
      %reduce_sum3A_270 = vector.multi_reduction <add>, %select_n3A_268, %reduce_sum3A_269 [1] : vector<128x100xf32> to vector<128xf32>
      %broadcast_in_dim3A_271 = vector.shape_cast %reduce_sum3A_270 : vector<128xf32> to vector<128x1xf32>
      %reduce_sum3A_272 = arith.constant dense<0.000000e+00> : vector<128xf32>
      %reduce_sum3A_273 = vector.multi_reduction <add>, %exp3A_265, %reduce_sum3A_272 [1] : vector<128x100xf32> to vector<128xf32>
      %broadcast_in_dim3A_274 = vector.shape_cast %reduce_sum3A_273 : vector<128xf32> to vector<128x1xf32>
      %div3A_275 = arith.divf %broadcast_in_dim3A_271, %broadcast_in_dim3A_274 : vector<128x1xf32>
      %eq3A_276 = vector.broadcast %get3A_126 : i32 to vector<128x1xi32>
      %eq3A_277 = arith.cmpi eq, %select_n3A, %eq3A_276 : vector<128x1xi32>
      %mul3A_278 = arith.mulf %div3A_71, %div3A_185 : vector<128x1xf32>
      %select_n3A_279 = arith.select %eq3A_277, %mul3A_278, %while3A_122 : vector<128x1xi1>, vector<128x1xf32>
      %eq3A_280 = vector.broadcast %get3A_135 : i32 to vector<128x1xi32>
      %eq3A_281 = arith.cmpi eq, %select_n3A, %eq3A_280 : vector<128x1xi32>
      %mul3A_282 = arith.mulf %div3A_71, %div3A_215 : vector<128x1xf32>
      %select_n3A_283 = arith.select %eq3A_281, %mul3A_282, %select_n3A_279 : vector<128x1xi1>, vector<128x1xf32>
      %eq3A_284 = vector.broadcast %get3A_145 : i32 to vector<128x1xi32>
      %eq3A_285 = arith.cmpi eq, %select_n3A, %eq3A_284 : vector<128x1xi32>
      %mul3A_286 = arith.mulf %div3A_71, %div3A_245 : vector<128x1xf32>
      %select_n3A_287 = arith.select %eq3A_285, %mul3A_286, %select_n3A_283 : vector<128x1xi1>, vector<128x1xf32>
      %eq3A_288 = vector.broadcast %get3A_155 : i32 to vector<128x1xi32>
      %eq3A_289 = arith.cmpi eq, %select_n3A, %eq3A_288 : vector<128x1xi32>
      %mul3A_290 = arith.mulf %div3A_71, %div3A_275 : vector<128x1xf32>
      %select_n3A_291 = arith.select %eq3A_289, %mul3A_290, %select_n3A_287 : vector<128x1xi1>, vector<128x1xf32>
      scf.yield %select_n3A_291 : vector<128x1xf32>
    }
    %while3A_115 = arith.constant 1 : i32
    %while3A_116 = scf.for %while3A_121 = %while3A_112 to %while3A_108 step %while3A_115 iter_args(%while3A_122 = %while3A_114) -> (vector<128x1xf32>)  : i32 {
      %mul3A = arith.constant 4 : i32
      %mul3A_123 = arith.muli %mul3A, %while3A_121 : i32
      %add3A_124 = arith.addi %get3A_76, %mul3A_123 : i32
      %get3A_125 = arith.index_cast %add3A_124 : i32 to index
      %get3A_126 = memref.load %arg3[%get3A_125] : memref<115xi32, #tpu.memory_space<smem>>
      %mul3A_127 = arith.constant 4 : i32
      %mul3A_128 = arith.muli %mul3A_127, %while3A_121 : i32
      %add3A_129 = arith.constant 1 : i32
      %add3A_130 = arith.addi %mul3A_128, %add3A_129 : i32
      %sub3A_131 = arith.constant 1 : i32
      %sub3A_132 = arith.subi %get3A_78, %sub3A_131 : i32
      %min3A = arith.minsi %add3A_130, %sub3A_132 : i32
      %add3A_133 = arith.addi %get3A_76, %min3A : i32
      %get3A_134 = arith.index_cast %add3A_133 : i32 to index
      %get3A_135 = memref.load %arg3[%get3A_134] : memref<115xi32, #tpu.memory_space<smem>>
      %mul3A_136 = arith.constant 4 : i32
      %mul3A_137 = arith.muli %mul3A_136, %while3A_121 : i32
      %add3A_138 = arith.constant 2 : i32
      %add3A_139 = arith.addi %mul3A_137, %add3A_138 : i32
      %sub3A_140 = arith.constant 1 : i32
      %sub3A_141 = arith.subi %get3A_78, %sub3A_140 : i32
      %min3A_142 = arith.minsi %add3A_139, %sub3A_141 : i32
      %add3A_143 = arith.addi %get3A_76, %min3A_142 : i32
      %get3A_144 = arith.index_cast %add3A_143 : i32 to index
      %get3A_145 = memref.load %arg3[%get3A_144] : memref<115xi32, #tpu.memory_space<smem>>
      %mul3A_146 = arith.constant 4 : i32
      %mul3A_147 = arith.muli %mul3A_146, %while3A_121 : i32
      %add3A_148 = arith.constant 3 : i32
      %add3A_149 = arith.addi %mul3A_147, %add3A_148 : i32
      %sub3A_150 = arith.constant 1 : i32
      %sub3A_151 = arith.subi %get3A_78, %sub3A_150 : i32
      %min3A_152 = arith.minsi %add3A_149, %sub3A_151 : i32
      %add3A_153 = arith.addi %get3A_76, %min3A_152 : i32
      %get3A_154 = arith.index_cast %add3A_153 : i32 to index
      %get3A_155 = memref.load %arg3[%get3A_154] : memref<115xi32, #tpu.memory_space<smem>>
      %get3A_156 = arith.index_cast %get3A_126 : i32 to index
      %get3A_157 = arith.constant 0 : index
      %get3A_158 = arith.constant 0 : index
      %get3A_159 = vector.load %arg8[%get3A_156, %get3A_157, %get3A_158] : memref<100x1024x100xf32, #tpu.memory_space<vmem>>, vector<1x1024x100xf32>
      %get3A_160 = vector.shape_cast %get3A_159 : vector<1x1024x100xf32> to vector<1024x100xf32>
      %dot_general3A_161 = arith.constant dense<0.000000e+00> : vector<128x100xf32>
      %dot_general3A_162 = tpu.matmul %get3A_1, %get3A_160, %dot_general3A_161 {dimension_numbers = #tpu.dot_dimension_numbers<[1], [0], [0], [1], [0, 0, 1, 1], [], []>, transpose_lhs_hint = false} : vector<128x1024xf32>, vector<1024x100xf32>, vector<128x100xf32> -> vector<128x100xf32>
      %get3A_163 = arith.index_cast %get3A_126 : i32 to index
      %get3A_164 = arith.constant 0 : index
      %get3A_165 = arith.constant 0 : index
      %get3A_166 = vector.load %arg9[%get3A_163, %get3A_164, %get3A_165] : memref<100x1x100xf32, #tpu.memory_space<vmem>>, vector<1x1x100xf32>
      %get3A_167 = vector.shape_cast %get3A_166 : vector<1x1x100xf32> to vector<1x100xf32>
      %add3A_168 = vector.broadcast %get3A_167 : vector<1x100xf32> to vector<128x100xf32>
      %add3A_169 = arith.addf %dot_general3A_162, %add3A_168 : vector<128x100xf32>
      %reduce_max3A_170 = arith.constant dense<0xFF800000> : vector<128xf32>
      %reduce_max3A_171 = vector.multi_reduction <maximumf>, %add3A_169, %reduce_max3A_170 [1] : vector<128x100xf32> to vector<128xf32>
      %broadcast_in_dim3A_172 = vector.shape_cast %reduce_max3A_171 : vector<128xf32> to vector<128x1xf32>
      %sub3A_173 = vector.broadcast %broadcast_in_dim3A_172 : vector<128x1xf32> to vector<128x100xf32>
      %sub3A_174 = arith.subf %add3A_169, %sub3A_173 : vector<128x100xf32>
      %exp3A_175 = math.exp %sub3A_174 : vector<128x100xf32>
      %jit3A_176 = arith.constant 0.000000e+00 : f32
      %broadcast_in_dim3A_177 = vector.broadcast %jit3A_176 : f32 to vector<128x100xf32>
      %select_n3A_178 = arith.select %eq3A_74, %exp3A_175, %broadcast_in_dim3A_177 : vector<128x100xi1>, vector<128x100xf32>
      %reduce_sum3A_179 = arith.constant dense<0.000000e+00> : vector<128xf32>
      %reduce_sum3A_180 = vector.multi_reduction <add>, %select_n3A_178, %reduce_sum3A_179 [1] : vector<128x100xf32> to vector<128xf32>
      %broadcast_in_dim3A_181 = vector.shape_cast %reduce_sum3A_180 : vector<128xf32> to vector<128x1xf32>
      %reduce_sum3A_182 = arith.constant dense<0.000000e+00> : vector<128xf32>
      %reduce_sum3A_183 = vector.multi_reduction <add>, %exp3A_175, %reduce_sum3A_182 [1] : vector<128x100xf32> to vector<128xf32>
      %broadcast_in_dim3A_184 = vector.shape_cast %reduce_sum3A_183 : vector<128xf32> to vector<128x1xf32>
      %div3A_185 = arith.divf %broadcast_in_dim3A_181, %broadcast_in_dim3A_184 : vector<128x1xf32>
      %get3A_186 = arith.index_cast %get3A_135 : i32 to index
      %get3A_187 = arith.constant 0 : index
      %get3A_188 = arith.constant 0 : index
      %get3A_189 = vector.load %arg8[%get3A_186, %get3A_187, %get3A_188] : memref<100x1024x100xf32, #tpu.memory_space<vmem>>, vector<1x1024x100xf32>
      %get3A_190 = vector.shape_cast %get3A_189 : vector<1x1024x100xf32> to vector<1024x100xf32>
      %dot_general3A_191 = arith.constant dense<0.000000e+00> : vector<128x100xf32>
      %dot_general3A_192 = tpu.matmul %get3A_1, %get3A_190, %dot_general3A_191 {dimension_numbers = #tpu.dot_dimension_numbers<[1], [0], [0], [1], [0, 0, 1, 1], [], []>, transpose_lhs_hint = false} : vector<128x1024xf32>, vector<1024x100xf32>, vector<128x100xf32> -> vector<128x100xf32>
      %get3A_193 = arith.index_cast %get3A_135 : i32 to index
      %get3A_194 = arith.constant 0 : index
      %get3A_195 = arith.constant 0 : index
      %get3A_196 = vector.load %arg9[%get3A_193, %get3A_194, %get3A_195] : memref<100x1x100xf32, #tpu.memory_space<vmem>>, vector<1x1x100xf32>
      %get3A_197 = vector.shape_cast %get3A_196 : vector<1x1x100xf32> to vector<1x100xf32>
      %add3A_198 = vector.broadcast %get3A_197 : vector<1x100xf32> to vector<128x100xf32>
      %add3A_199 = arith.addf %dot_general3A_192, %add3A_198 : vector<128x100xf32>
      %reduce_max3A_200 = arith.constant dense<0xFF800000> : vector<128xf32>
      %reduce_max3A_201 = vector.multi_reduction <maximumf>, %add3A_199, %reduce_max3A_200 [1] : vector<128x100xf32> to vector<128xf32>
      %broadcast_in_dim3A_202 = vector.shape_cast %reduce_max3A_201 : vector<128xf32> to vector<128x1xf32>
      %sub3A_203 = vector.broadcast %broadcast_in_dim3A_202 : vector<128x1xf32> to vector<128x100xf32>
      %sub3A_204 = arith.subf %add3A_199, %sub3A_203 : vector<128x100xf32>
      %exp3A_205 = math.exp %sub3A_204 : vector<128x100xf32>
      %jit3A_206 = arith.constant 0.000000e+00 : f32
      %broadcast_in_dim3A_207 = vector.broadcast %jit3A_206 : f32 to vector<128x100xf32>
      %select_n3A_208 = arith.select %eq3A_74, %exp3A_205, %broadcast_in_dim3A_207 : vector<128x100xi1>, vector<128x100xf32>
      %reduce_sum3A_209 = arith.constant dense<0.000000e+00> : vector<128xf32>
      %reduce_sum3A_210 = vector.multi_reduction <add>, %select_n3A_208, %reduce_sum3A_209 [1] : vector<128x100xf32> to vector<128xf32>
      %broadcast_in_dim3A_211 = vector.shape_cast %reduce_sum3A_210 : vector<128xf32> to vector<128x1xf32>
      %reduce_sum3A_212 = arith.constant dense<0.000000e+00> : vector<128xf32>
      %reduce_sum3A_213 = vector.multi_reduction <add>, %exp3A_205, %reduce_sum3A_212 [1] : vector<128x100xf32> to vector<128xf32>
      %broadcast_in_dim3A_214 = vector.shape_cast %reduce_sum3A_213 : vector<128xf32> to vector<128x1xf32>
      %div3A_215 = arith.divf %broadcast_in_dim3A_211, %broadcast_in_dim3A_214 : vector<128x1xf32>
      %get3A_216 = arith.index_cast %get3A_145 : i32 to index
      %get3A_217 = arith.constant 0 : index
      %get3A_218 = arith.constant 0 : index
      %get3A_219 = vector.load %arg8[%get3A_216, %get3A_217, %get3A_218] : memref<100x1024x100xf32, #tpu.memory_space<vmem>>, vector<1x1024x100xf32>
      %get3A_220 = vector.shape_cast %get3A_219 : vector<1x1024x100xf32> to vector<1024x100xf32>
      %dot_general3A_221 = arith.constant dense<0.000000e+00> : vector<128x100xf32>
      %dot_general3A_222 = tpu.matmul %get3A_1, %get3A_220, %dot_general3A_221 {dimension_numbers = #tpu.dot_dimension_numbers<[1], [0], [0], [1], [0, 0, 1, 1], [], []>, transpose_lhs_hint = false} : vector<128x1024xf32>, vector<1024x100xf32>, vector<128x100xf32> -> vector<128x100xf32>
      %get3A_223 = arith.index_cast %get3A_145 : i32 to index
      %get3A_224 = arith.constant 0 : index
      %get3A_225 = arith.constant 0 : index
      %get3A_226 = vector.load %arg9[%get3A_223, %get3A_224, %get3A_225] : memref<100x1x100xf32, #tpu.memory_space<vmem>>, vector<1x1x100xf32>
      %get3A_227 = vector.shape_cast %get3A_226 : vector<1x1x100xf32> to vector<1x100xf32>
      %add3A_228 = vector.broadcast %get3A_227 : vector<1x100xf32> to vector<128x100xf32>
      %add3A_229 = arith.addf %dot_general3A_222, %add3A_228 : vector<128x100xf32>
      %reduce_max3A_230 = arith.constant dense<0xFF800000> : vector<128xf32>
      %reduce_max3A_231 = vector.multi_reduction <maximumf>, %add3A_229, %reduce_max3A_230 [1] : vector<128x100xf32> to vector<128xf32>
      %broadcast_in_dim3A_232 = vector.shape_cast %reduce_max3A_231 : vector<128xf32> to vector<128x1xf32>
      %sub3A_233 = vector.broadcast %broadcast_in_dim3A_232 : vector<128x1xf32> to vector<128x100xf32>
      %sub3A_234 = arith.subf %add3A_229, %sub3A_233 : vector<128x100xf32>
      %exp3A_235 = math.exp %sub3A_234 : vector<128x100xf32>
      %jit3A_236 = arith.constant 0.000000e+00 : f32
      %broadcast_in_dim3A_237 = vector.broadcast %jit3A_236 : f32 to vector<128x100xf32>
      %select_n3A_238 = arith.select %eq3A_74, %exp3A_235, %broadcast_in_dim3A_237 : vector<128x100xi1>, vector<128x100xf32>
      %reduce_sum3A_239 = arith.constant dense<0.000000e+00> : vector<128xf32>
      %reduce_sum3A_240 = vector.multi_reduction <add>, %select_n3A_238, %reduce_sum3A_239 [1] : vector<128x100xf32> to vector<128xf32>
      %broadcast_in_dim3A_241 = vector.shape_cast %reduce_sum3A_240 : vector<128xf32> to vector<128x1xf32>
      %reduce_sum3A_242 = arith.constant dense<0.000000e+00> : vector<128xf32>
      %reduce_sum3A_243 = vector.multi_reduction <add>, %exp3A_235, %reduce_sum3A_242 [1] : vector<128x100xf32> to vector<128xf32>
      %broadcast_in_dim3A_244 = vector.shape_cast %reduce_sum3A_243 : vector<128xf32> to vector<128x1xf32>
      %div3A_245 = arith.divf %broadcast_in_dim3A_241, %broadcast_in_dim3A_244 : vector<128x1xf32>
      %get3A_246 = arith.index_cast %get3A_155 : i32 to index
      %get3A_247 = arith.constant 0 : index
      %get3A_248 = arith.constant 0 : index
      %get3A_249 = vector.load %arg8[%get3A_246, %get3A_247, %get3A_248] : memref<100x1024x100xf32, #tpu.memory_space<vmem>>, vector<1x1024x100xf32>
      %get3A_250 = vector.shape_cast %get3A_249 : vector<1x1024x100xf32> to vector<1024x100xf32>
      %dot_general3A_251 = arith.constant dense<0.000000e+00> : vector<128x100xf32>
      %dot_general3A_252 = tpu.matmul %get3A_1, %get3A_250, %dot_general3A_251 {dimension_numbers = #tpu.dot_dimension_numbers<[1], [0], [0], [1], [0, 0, 1, 1], [], []>, transpose_lhs_hint = false} : vector<128x1024xf32>, vector<1024x100xf32>, vector<128x100xf32> -> vector<128x100xf32>
      %get3A_253 = arith.index_cast %get3A_155 : i32 to index
      %get3A_254 = arith.constant 0 : index
      %get3A_255 = arith.constant 0 : index
      %get3A_256 = vector.load %arg9[%get3A_253, %get3A_254, %get3A_255] : memref<100x1x100xf32, #tpu.memory_space<vmem>>, vector<1x1x100xf32>
      %get3A_257 = vector.shape_cast %get3A_256 : vector<1x1x100xf32> to vector<1x100xf32>
      %add3A_258 = vector.broadcast %get3A_257 : vector<1x100xf32> to vector<128x100xf32>
      %add3A_259 = arith.addf %dot_general3A_252, %add3A_258 : vector<128x100xf32>
      %reduce_max3A_260 = arith.constant dense<0xFF800000> : vector<128xf32>
      %reduce_max3A_261 = vector.multi_reduction <maximumf>, %add3A_259, %reduce_max3A_260 [1] : vector<128x100xf32> to vector<128xf32>
      %broadcast_in_dim3A_262 = vector.shape_cast %reduce_max3A_261 : vector<128xf32> to vector<128x1xf32>
      %sub3A_263 = vector.broadcast %broadcast_in_dim3A_262 : vector<128x1xf32> to vector<128x100xf32>
      %sub3A_264 = arith.subf %add3A_259, %sub3A_263 : vector<128x100xf32>
      %exp3A_265 = math.exp %sub3A_264 : vector<128x100xf32>
      %jit3A_266 = arith.constant 0.000000e+00 : f32
      %broadcast_in_dim3A_267 = vector.broadcast %jit3A_266 : f32 to vector<128x100xf32>
      %select_n3A_268 = arith.select %eq3A_74, %exp3A_265, %broadcast_in_dim3A_267 : vector<128x100xi1>, vector<128x100xf32>
      %reduce_sum3A_269 = arith.constant dense<0.000000e+00> : vector<128xf32>
      %reduce_sum3A_270 = vector.multi_reduction <add>, %select_n3A_268, %reduce_sum3A_269 [1] : vector<128x100xf32> to vector<128xf32>
      %broadcast_in_dim3A_271 = vector.shape_cast %reduce_sum3A_270 : vector<128xf32> to vector<128x1xf32>
      %reduce_sum3A_272 = arith.constant dense<0.000000e+00> : vector<128xf32>
      %reduce_sum3A_273 = vector.multi_reduction <add>, %exp3A_265, %reduce_sum3A_272 [1] : vector<128x100xf32> to vector<128xf32>
      %broadcast_in_dim3A_274 = vector.shape_cast %reduce_sum3A_273 : vector<128xf32> to vector<128x1xf32>
      %div3A_275 = arith.divf %broadcast_in_dim3A_271, %broadcast_in_dim3A_274 : vector<128x1xf32>
      %eq3A_276 = vector.broadcast %get3A_126 : i32 to vector<128x1xi32>
      %eq3A_277 = arith.cmpi eq, %select_n3A, %eq3A_276 : vector<128x1xi32>
      %mul3A_278 = arith.mulf %div3A_71, %div3A_185 : vector<128x1xf32>
      %select_n3A_279 = arith.select %eq3A_277, %mul3A_278, %while3A_122 : vector<128x1xi1>, vector<128x1xf32>
      %eq3A_280 = vector.broadcast %get3A_135 : i32 to vector<128x1xi32>
      %eq3A_281 = arith.cmpi eq, %select_n3A, %eq3A_280 : vector<128x1xi32>
      %mul3A_282 = arith.mulf %div3A_71, %div3A_215 : vector<128x1xf32>
      %select_n3A_283 = arith.select %eq3A_281, %mul3A_282, %select_n3A_279 : vector<128x1xi1>, vector<128x1xf32>
      %eq3A_284 = vector.broadcast %get3A_145 : i32 to vector<128x1xi32>
      %eq3A_285 = arith.cmpi eq, %select_n3A, %eq3A_284 : vector<128x1xi32>
      %mul3A_286 = arith.mulf %div3A_71, %div3A_245 : vector<128x1xf32>
      %select_n3A_287 = arith.select %eq3A_285, %mul3A_286, %select_n3A_283 : vector<128x1xi1>, vector<128x1xf32>
      %eq3A_288 = vector.broadcast %get3A_155 : i32 to vector<128x1xi32>
      %eq3A_289 = arith.cmpi eq, %select_n3A, %eq3A_288 : vector<128x1xi32>
      %mul3A_290 = arith.mulf %div3A_71, %div3A_275 : vector<128x1xf32>
      %select_n3A_291 = arith.select %eq3A_289, %mul3A_290, %select_n3A_287 : vector<128x1xi1>, vector<128x1xf32>
      scf.yield %select_n3A_291 : vector<128x1xf32>
    }
    %broadcast_in_dim3A_117 = vector.shape_cast %while3A_116 : vector<128x1xf32> to vector<128x1xf32>
    %broadcast_in_dim3A_118 = vector.broadcast %broadcast_in_dim3A_117 : vector<128x1xf32> to vector<128x128xf32>
    %swap3A = arith.constant 0 : index
    %swap3A_119 = arith.constant 0 : index
    %swap3A_120 = vector.load %arg10[%swap3A, %swap3A_119] : memref<128x128xf32, #tpu.memory_space<vmem>>, vector<128x128xf32>
    tpu.vector_store %arg10[%swap3A, %swap3A_119], %broadcast_in_dim3A_118 {strides = array<i32>} : memref<128x128xf32, #tpu.memory_space<vmem>>, vector<128x128xf32>,
    return
  }
  func.func @transform_0(%arg0: i32, %arg1: memref<16xi32, #tpu.memory_space<smem>>, %arg2: memref<16xi32, #tpu.memory_space<smem>>, %arg3: memref<115xi32, #tpu.memory_space<smem>>) -> (i32, i32) {
    %c0_i32 = arith.constant 0 : i32
    %c0_i32_0 = arith.constant 0 : i32
    return %arg0, %c0_i32 : i32, i32
  }
  func.func @transform_1(%arg0: i32, %arg1: memref<16xi32, #tpu.memory_space<smem>>, %arg2: memref<16xi32, #tpu.memory_space<smem>>, %arg3: memref<115xi32, #tpu.memory_space<smem>>) -> (i32, i32) {
    %c0_i32 = arith.constant 0 : i32
    %c0_i32_0 = arith.constant 0 : i32
    return %arg0, %c0_i32 : i32, i32
  }
  func.func @transform_2(%arg0: i32, %arg1: memref<16xi32, #tpu.memory_space<smem>>, %arg2: memref<16xi32, #tpu.memory_space<smem>>, %arg3: memref<115xi32, #tpu.memory_space<smem>>) -> (i32, i32) {
    %c0_i32 = arith.constant 0 : i32
    %c0_i32_0 = arith.constant 0 : i32
    %c0_i32_1 = arith.constant 0 : i32
    return %c0_i32, %c0_i32_0 : i32, i32
  }
  func.func @transform_3(%arg0: i32, %arg1: memref<16xi32, #tpu.memory_space<smem>>, %arg2: memref<16xi32, #tpu.memory_space<smem>>, %arg3: memref<115xi32, #tpu.memory_space<smem>>) -> (i32, i32, i32) {
    %c0_i32 = arith.constant 0 : i32
    %c0_i32_0 = arith.constant 0 : i32
    %c0_i32_1 = arith.constant 0 : i32
    %c0_i32_2 = arith.constant 0 : i32
    return %c0_i32, %c0_i32_0, %c0_i32_1 : i32, i32, i32
  }
  func.func @transform_4(%arg0: i32, %arg1: memref<16xi32, #tpu.memory_space<smem>>, %arg2: memref<16xi32, #tpu.memory_space<smem>>, %arg3: memref<115xi32, #tpu.memory_space<smem>>) -> (i32, i32, i32) {
    %c0_i32 = arith.constant 0 : i32
    %c0_i32_0 = arith.constant 0 : i32
    %c0_i32_1 = arith.constant 0 : i32
    %c0_i32_2 = arith.constant 0 : i32
    return %c0_i32, %c0_i32_0, %c0_i32_1 : i32, i32, i32
  }
  func.func @transform_5(%arg0: i32, %arg1: memref<16xi32, #tpu.memory_space<smem>>, %arg2: memref<16xi32, #tpu.memory_space<smem>>, %arg3: memref<115xi32, #tpu.memory_space<smem>>) -> (i32, i32, i32) {
    %c0_i32 = arith.constant 0 : i32
    %c0_i32_0 = arith.constant 0 : i32
    %c0_i32_1 = arith.constant 0 : i32
    %c0_i32_2 = arith.constant 0 : i32
    return %c0_i32, %c0_i32_0, %c0_i32_1 : i32, i32, i32
  }
  func.func @transform_6(%arg0: i32, %arg1: memref<16xi32, #tpu.memory_space<smem>>, %arg2: memref<16xi32, #tpu.memory_space<smem>>, %arg3: memref<115xi32, #tpu.memory_space<smem>>) -> (i32, i32) {
    %c0_i32 = arith.constant 0 : i32
    %c0_i32_0 = arith.constant 0 : i32
    return %arg0, %c0_i32 : i32, i32
  }
}

</mosaic_0001>

<sc_bundles>
// kernel: gather_offload_async_start.1
scs
__scs_entry_jumppad:
0x0: {  	(pc) =	sbr.rel $0x88, $3  }
0x1: {  	(tag) =	ssettag $0x0;
	lr =	simm.s32 $0x1  }
0x2: {  	[smem:$0x3F9B] =	sst lr;
	_ =	strace $0xD0000000  }
0x3: {  	_ = 	snop  }
0x4: {  	_ = 	snop  }
0x5: {  	_ = 	snop  }
0x6: {  	_ = 	snop  }
0x7: {  	_ = 	snop  }
__scs_overlays_trampoline_lowered:
0x8: {  	[smem:$0x3FAA] =	sst s0  }
0x9: {  	[smem:$0x3FAB] =	sst s1  }
0xa: {  	[smem:$0x3FAC] =	sst s2  }
0xb: {  	[smem:$0x3FAD] =	sst s3  }
0xc: {  	[smem:$0x3FAE] =	sst s4  }
0xd: {  	[smem:$0x3FAF] =	sst s5  }
0xe: {  	[smem:$0x3FB0] =	sst s6  }
0xf: {  	[smem:$0x3FB1] =	sst s7  }
0x10: {  	[smem:$0x3FB2] =	sst s8  }
0x11: {  	[smem:$0x3FB3] =	sst s9;
	s0 =	simm.s32 @!p0 $0x0  }
0x12: {  	s1 =	sld [smem:$0x3F99];
	s0 =	simm.s32 @p0 $0x1  }
0x13: {  	[smem:$0x3FB4] =	sst s0;
	s0 =	simm.s32 @!p1 $0x0  }
0x14: {  	s2 =	sld [smem:$0x3F98];
	s0 =	simm.s32 @p1 $0x1  }
0x15: {  	[smem:$0x3FB5] =	sst s0;
	s0 =	simm.s32 @!p2 $0x0  }
0x16: {  	s3 =	sld [smem:$0x3FDB];
	s0 =	simm.s32 @p2 $0x1  }
0x17: {  	s4 =	simm.s32 $0x1BF5;
	[smem:$0x3FB7] =	sst s0  }
0x18: {  	s0 =	sld [smem:$0x3F9A];
	_ =	swait.ge [sflag:s4], $0x0  }
0x19: {  	s7 =	sld [smem:$0x3F9B]  }
0x1a: {  	s8 =	sadd.s32 $0xFFFFE003, lr  }
0x1b: {  	s9 =	sadd.s32 $0xFFFFFEF7, lr;
	s5 =	simm.s32 $0xFFFFFFFF;
	p2 =	slt.u32 s8, $0xFFFFF086  }
0x1c: {  	p1 =	slt.u32 s9, $0xF7A;
	s5 =	simm.s32 @!p2 $0x0  }
0x1d: {  	s5 =	simm.s32 @p1 $0x1;
	p0 =	seq.s32 s7, s2  }
0x1e: {  	s7 =	smul.u32 @!p0 $0xF7A, s2;
	p2 =	seq.s32 @!p0 s5, $0x0  }
0x1f: {  	s9 =	smul.u32 $0xF7A, s1;
	s8 =	simm.s32 @!p0 $0x1BF5;
	p2 =	por !p2, p0  }
0x20: {  	[sflag:s8] =	ssyncset.s32 @!p0 $0xFFFFF086;
	s6 =	sadd.s32 @!p0 s3, s7;
	s7 =	simm.s32 @!p0 $0x108  }
0x21: {  	s3 =	sadd.s32 s3, s9;
	s6 =	sadd.s32 @!p0 $0x88, s6;
	s7 =	simm.s32 @p2 $0x1082  }
0x22: {  	[simem:s7], [sflag:s8] =	dma.local @!p0 [hbm:s6], $0xF7A  }
0x23: {  	s9 =	sor.u32 $0xD0000000, s2;
	s6 =	simm.s32 $0x108;
	_ =	swait.ge @!p0 [sflag:s8], $0x0  }
0x24: {  	s3 =	sadd.s32 $0x88, s3;
	s6 =	simm.s32 @!p1 $0x1082;
	[sflag:s4] =	ssyncset.s32 $0xFFFFF086  }
0x25: {  	[simem:s6], [sflag:s4] =	dma.local [hbm:s3], $0xF7A  }
0x26: {  	[smem:$0x3F9B] =	sst s1;
	(tag) =	ssettag s2;
	_ =	strace s9  }
0x27: {  	s1 =	sld [smem:$0x3FAB]  }
0x28: {  	s2 =	sld [smem:$0x3FAC]  }
0x29: {  	s4 =	sld [smem:$0x3FAE]  }
0x2a: {  	p0 =	seq.s32 s5, $0x0;
	s5 =	sld [smem:$0x3FAF]  }
0x2b: {  	s6 =	sld [smem:$0x3FB0]  }
0x2c: {  	s7 =	sld [smem:$0x3FB1]  }
0x2d: {  	s3 =	simm.s32 $0x108;
	s8 =	sld [smem:$0x3FB2]  }
0x2e: {  	s3 =	simm.s32 @!p0 $0x1082;
	s9 =	sld [smem:$0x3FB3]  }
0x2f: {  	lr =	sadd.s32 s0, s3;
	s0 =	sld [smem:$0x3FAA]  }
0x30: {  	s3 =	sld [smem:$0x3FAD]  }
0x31: {  	[smem:$0x3FB6] =	sst s10  }
0x32: {  	s10 =	sld [smem:$0x3FB4];
	_ =	sdelay $0x3  }
0x33: {  	p0 =	seq.s32 s10, $0x1;
	s10 =	sld [smem:$0x3FB6];
	_ =	sdelay $0x3  }
0x34: {  	[smem:$0x3FB6] =	sst s10  }
0x35: {  	s10 =	sld [smem:$0x3FB5];
	_ =	sdelay $0x3  }
0x36: {  	p1 =	seq.s32 s10, $0x1;
	s10 =	sld [smem:$0x3FB6];
	_ =	sdelay $0x3  }
0x37: {  	[smem:$0x3FB6] =	sst s10  }
0x38: {  	s10 =	sld [smem:$0x3FB7]  }
0x39: {  	_ = 	snop;
	(pc) =	sbr.ind lr, $3  }
0x3a: {  	_ = 	snop  }
0x3b: {  	_ = 	snop  }
0x3c: {  	p2 =	seq.s32 s10, $0x1;
	s10 =	sld [smem:$0x3FB6]  }
0x3d: {  	_ =	shalt  }
0x3e: {  	_ =	shalt  }
0x3f: {  	_ =	shalt  }
0x40: {  	_ =	shalt  }
0x41: {  	_ =	shalt  }
0x42: {  	_ =	shalt  }
0x43: {  	_ =	shalt  }
0x44: {  	_ =	shalt  }
0x45: {  	_ =	shalt  }
0x46: {  	_ =	shalt  }
0x47: {  	_ =	shalt  }
0x48: {  	_ =	shalt  }
0x49: {  	_ =	shalt  }
0x4a: {  	_ =	shalt  }
0x4b: {  	_ =	shalt  }
0x4c: {  	_ =	shalt  }
0x4d: {  	_ =	shalt  }
0x4e: {  	_ =	shalt  }
0x4f: {  	_ =	shalt  }
0x50: {  	_ =	shalt  }
0x51: {  	_ =	shalt  }
0x52: {  	_ =	shalt  }
0x53: {  	_ =	shalt  }
0x54: {  	_ =	shalt  }
0x55: {  	_ =	shalt  }
0x56: {  	_ =	shalt  }
0x57: {  	_ =	shalt  }
0x58: {  	_ =	shalt  }
0x59: {  	_ =	shalt  }
0x5a: {  	_ =	shalt  }
0x5b: {  	_ =	shalt  }
0x5c: {  	_ =	shalt  }
0x5d: {  	_ =	shalt  }
0x5e: {  	_ =	shalt  }
0x5f: {  	_ =	shalt  }
0x60: {  	_ =	shalt  }
0x61: {  	_ =	shalt  }
0x62: {  	_ =	shalt  }
0x63: {  	_ =	shalt  }
0x64: {  	_ =	shalt  }
0x65: {  	_ =	shalt  }
0x66: {  	_ =	shalt  }
0x67: {  	_ =	shalt  }
0x68: {  	_ =	shalt  }
0x69: {  	_ =	shalt  }
0x6a: {  	_ =	shalt  }
0x6b: {  	_ =	shalt  }
0x6c: {  	_ =	shalt  }
0x6d: {  	_ =	shalt  }
0x6e: {  	_ =	shalt  }
0x6f: {  	_ =	shalt  }
0x70: {  	_ =	shalt  }
0x71: {  	_ =	shalt  }
0x72: {  	_ =	shalt  }
0x73: {  	_ =	shalt  }
0x74: {  	_ =	shalt  }
0x75: {  	_ =	shalt  }
0x76: {  	_ =	shalt  }
0x77: {  	_ =	shalt  }
0x78: {  	_ =	shalt  }
0x79: {  	_ =	shalt  }
0x7a: {  	_ =	shalt  }
0x7b: {  	_ =	shalt  }
0x7c: {  	_ =	shalt  }
0x7d: {  	_ =	shalt  }
0x7e: {  	_ =	shalt  }
0x7f: {  	_ =	shalt  }
0x80: {  	_ =	shalt  }
0x81: {  	_ =	shalt  }
0x82: {  	_ =	shalt  }
0x83: {  	_ =	shalt  }
0x84: {  	_ =	shalt  }
0x85: {  	_ =	shalt  }
0x86: {  	_ =	shalt  }
0x87: {  	_ =	shalt  }
.Lfunc_end0:
.L_simem_size_0:
called_computation.1_lowered:
.L_overlay_start_0:
0x88: {  	s2 =	sld [smem:$0x3FD9]  }
0x89: {  	s3 =	sld [smem:$0x3FFE];
	_ =	sdelay $0x1  }
0x8a: {  	s1 =	srdreg.scid  }
0x8b: {  	s0 =	sand.u32 $0x1, s1  }
0x8c: {  	s17 =	sshll.u32 s0, $0xA;
	s2 =	sadd.s32 s3, s2  }
0x8d: {  	s2 =	sadd.s32 s2, s17  }
0x8e: {  	[smem:$0x3FC2] =	sst s2  }
0x8f: {  	_ = 	snop  }
0x90: {  	s18 =	sld [smem:$0x3FC8];
	(tm) =	ssettm $0x1  }
0x91: {  	s19 =	sld [smem:$0x3FFB];
	_ =	sdelay $0x3  }
0x92: {  	_ =	strace s19  }
0x93: {  	s2 =	sld [smem:$0x3FFC];
	_ =	sdelay $0x3  }
0x94: {  	_ =	strace s2  }
0x95: {  	s2 =	sld [smem:$0x3FFD];
	_ =	sdelay $0x3  }
0x96: {  	_ =	strace s2  }
0x97: {  	_ =	strace $0x8FFFFFFF  }
0x98: {  	s20 =	sld [smem:$0x3FDB];
	_ =	sdelay $0x1  }
0x99: {  	s4 =	simm.s32 $_scs_section_size  }
0x9a: {  	s5 =	simm.s32 $_size__tile_overlayer_lowered;
	s6 =	simm.s32 $_tile_overlayer_lowered  }
0x9b: {  	s7 =	simm.s32 $0x1BFF;
	s21 =	sshll.u32 s6, $0x1;
	s4 =	sadd.s32 s4, s20  }
0x9c: {  	s22 =	simm.s32 $0x0;
	s5 =	sshll.u32 s5, $0x1;
	s6 =	sadd.s32 s21, s4  }
0x9d: {  	[timem:s22], [sflag:s7] =	dma.local [hbm:s6], s5  }
0x9e: {  	_ =	swait.ge [sflag:s7], s5  }
0x9f: {  	s5 =	ssub.s32 $0x0, s5;
	[sflag:s7] =	ssyncset.done $0x0  }
0xa0: {  	[sflag:s7] =	ssyncadd.s32 s5;
	_ =	sdelay $0x1  }
0xa1: {  	s23 =	simm.s32 $0x1B8B  }
0xa2: {  	_ =	swait.ge [sflag:s23], $0x1  }
0xa3: {  	[sflag:s23] =	ssyncset.done $0x0  }
0xa4: {  	[sflag:s23] =	ssyncadd.s32 $0xFFFFFFFF  }
0xa5: {  	s5 =	sld [smem:$0x0]  }
0xa6: {  	s6 =	sand.u32 $0xFFFFFFFE, s1  }
0xa7: {  	p0 =	sne.s32 s1, s6  }
0xa8: {  	s6 =	sshll.u32 @p0 s6, $0xE  }
0xa9: {  	s6 =	sadd.s32 @p0 $0x11B8D, s6;
	s7 =	sshll.u32 @p0 s5, $0x11  }
0xaa: {  	s6 =	sor.u32 @p0 s7, s6  }
0xab: {  	[sflag:s6] =	ssyncadd.remote.s32 @p0 $0x1;
	_ =	sdelay $0x1  }
0xac: {  	s6 =	simm.s32 @p0 $0x1B8D  }
0xad: {  	_ =	swait.eq @p0 [sflag:s6], $0x1  }
0xae: {  	[sflag:s6] =	ssyncadd.s32 @p0 $0xFFFFFFFF  }
0xaf: {  	s7 =	sshll.u32 @!p0 s1, $0xE  }
0xb0: {  	s7 =	sor.u32 @!p0 $0x4000, s7;
	s6 =	simm.s32 @!p0 $0x1B8D  }
0xb1: {  	s5 =	sshll.u32 @!p0 s5, $0x11;
	s7 =	sadd.s32 @!p0 $0x11B8D, s7;
	_ =	swait.eq @!p0 [sflag:s6], $0x1  }
0xb2: {  	s5 =	sor.u32 @!p0 s5, s7;
	[sflag:s6] =	ssyncadd.s32 @!p0 $0xFFFFFFFF  }
0xb3: {  	s25 =	simm.s32 $0x1B8E;
	s24 =	sld [smem:$0x3FFE];
	[sflag:s5] =	ssyncadd.remote.s32 @!p0 $0x1  }
0xb4: {  	s26 =	simm.s32 $execute0_lowered;
	[smem:$0x3FD2] =	sst s25  }
0xb5: {  	s6 =	sshll.u32 s26, $0x1;
	_ =	strace $0x80000049;
	[dreg:$0x1] =	wrdreg $0xFFFFFFFF  }
0xb6: {  	s28 =	simm.s32 $_size_execute0_lowered;
	s4 =	sadd.s32 s4, s6;
	[dreg:$0x0] =	wrdreg $0x0  }
0xb7: {  	s6 =	sshll.u32 s28, $0x1;
	[dreg:$0x2] =	wrdreg s4  }
0xb8: {  	[dreg:$0x3] =	wrdreg s6  }
0xb9: {  	[dreg:$0x4] =	wrdreg $0xC0  }
0xba: {  	_ =	task [dreg:s22], $0x5FFFF  }
0xbb: {  	[dreg:$0x1] =	wrdreg $0xFFFFFFFF  }
0xbc: {  	[dreg:$0x0] =	wrdreg $0x60  }
0xbd: {  	[dreg:$0x2] =	wrdreg s18  }
0xbe: {  	[dreg:$0x3] =	wrdreg s24  }
0xbf: {  	[dreg:$0x4] =	wrdreg $0xA  }
0xc0: {  	_ =	task.clear_ibuf [dreg:s22], $0x5FFFF;
	_ =	strace $0x90000049  }
0xc1: {  	s29 =	simm.s32 $0xA;
	_ =	strace $0x8000004B  }
0xc2: {  	_ =	swait.ge [sflag:s29], $0x1  }
0xc3: {  	[sflag:s29] =	ssyncadd.s32 $0xFFFFFFFF  }
0xc4: {  	_ =	strace $0x9000004B  }
0xc5: {  	_ =	sfence  }
0xc6: {  	s30 =	sld [smem:$0x0];
	_ =	sdelay $0x2  }
0xc7: {  	s31 =	sshll.u32 s1, $0xD;
	s1 =	sshrl.u32 s1, $0x2  }
0xc8: {  	s4 =	sand.u32 $0x4000, s31;
	s1 =	sadd.s32 s1, s30  }
0xc9: {  	s0 =	sor.u32 s4, s0;
	s1 =	sshll.u32 s1, $0x11  }
0xca: {  	s0 =	sor.u32 s1, s0  }
0xcb: {  	s0 =	sadd.s32 $0x8F2B, s0  }
0xcc: {  	[sflag:s0] =	ssyncadd.remote.s32 $0x1  }
0xcd: {  	_ =	sfence.sel $0xFFFF  }
0xce: {  	[dreg:$0x0] =	wrdreg $0xFFFFFFFF;
	(pc) =	sbr.abs _section_cstart, $3  }
0xcf: {  	[dreg:$0x1] =	wrdreg $0xFFFFFFFF  }
0xd0: {  	_ =	task.clear_ibuf [dreg:s22], $0x2FFFF;
	_ =	strace $0x9FFFFFFF  }
0xd1: {  	(tm) =	ssettm $0x7FFFFFFF  }
tec
execute0_lowered:
.L_overlay_start_1:
0x0: {  	(tag) =	ssettag $0x1  }
0x1: {  	s1 =	srdreg.scid;
	s2 =	rddreg [dreg:$0x0]  }
0x2: {  	s0 =	stileid.u32;
	s6 =	rddreg [dreg:$0x1];
	s1 =	sshll.u32 s1, $0x5  }
0x3: {  	s7 =	simm.s32 $0x1;
	s3 =	sshll.u32 s0, $0x6;
	s1 =	sand.u32 $0x20, s1  }
0x4: {  	s30 =	simm.s32 $0x2;
	s31 =	simm.s32 $0x3;
	s3 =	sor.u32 s3, s1  }
0x5: {  	s11 =	simm.s32 $0x0;
	s9 =	simm.s32 $0x0;
	s5 =	ssub.s32 $0x800, s3  }
0x6: {  	s4 =	sadd.s32 $0x1600, s6;
	s6 =	sadd.s32 $0x1A00, s6;
	s8 =	sand.u32 $0x3E0, s5  }
0x7: {  	s1 =	rddreg [dreg:$0x2];
	_ =	strace $0x8000004A;
	p0 =	sne.s32 s8, $0x0  }
0x8: {  	[sflag:s7] =	ssyncpa.u1 $0x0;
	s5 =	sshrl.u32 s5, $0xA;
	s7 =	simm.s32 @!p0 $0x0  }
0x9: {  	s10 =	smov.u32 s3;
	[sflag:s30] =	ssyncpa.u1 $0x0;
	s5 =	sadd.s32 s7, s5  }
0xa: {  	[sflag:s31] =	ssyncpa.u1 $0x0;
	s8 =	simm.s32 $0x0;
	s7 =	sadd.s32 $0x1, s5  }
.LBB2_1:
0xb: {  	p0 =	sge.u32 s9, s5  }
0xc: {  	s31 =	sadd.s32 $0xFFFFFFFF, s9;
	s12 =	sxor.u32 @!p0 $0xFFFFFFFF, s8;
	s13 =	sshrl.u32 @!p0 s10, $0x3  }
0xd: {  	s14 =	sand.u32 @!p0 $0x7, s10;
	s12 =	sand.u32 @!p0 $0x20, s12;
	s13 =	sadd.s32 @!p0 s4, s13  }
0xe: {  	[tilespmem:s12], [sflag:$0x2] =	stream.linear.gather @!p0 [hbm4b:s13+s14], $0x20, $0x38;
	[tilespmem:$0x80] =	vst v63  }
0xf: {  	p0 =	sge.u32 s31, s5  }
0x10: {  	s12 =	simm.s32 @!p0 $0x2  }
0x11: {  	_ =	swait.ge @!p0 [sflag:s12], $0x20  }
0x12: {  	[sflag:s12] =	ssyncset.done @!p0 $0x0  }
0x13: {  	[sflag:s12] =	ssyncadd.s32 @!p0 $0xFFFFFFE0;
	s12 =	sand.u32 @!p0 $0x20, s8  }
0x14: {  	(ifvalue) =	ssetifvalue @!p0 $0x7FFFFFFF;
	v0 =	vld.msk @!p0 [tilespmem:s12+$0x0 ss:$0x1], $0xffff;
	_ =	sdelay $0x4  }
0x15: {  	vm0 =	vgt.s32 @!p0 v0, $0x0  }
0x16: {  	v0 =	vnsel @!p0 vm0, $0x0, v0  }
0x17: {  	v0 =	vmin.u32 @!p0 v0, $0x7FF;
	_ =	sdelay $0x2  }
0x18: {  	s14 =	simm.s32 @!p0 $0x0  }
0x19: {  	s13 =	sor.u32 @!p0 $0x40, s12;
	(ifvalue) =	ssetifvalue @!p0 $0x7FFFFFFF;
	s15 =	sor.u32 @!p0 $0x10, s12;
	vm0 =	vmmov @!p0 $0xffff  }
0x1a: {  	[tilespmem:s13], [sflag:$0x1] =	stream.indirect_vreg.gather @!p0 [hbm4b:s2+s14], $0x1, v0, vm0, $0x4038;
	[tilespmem:$0x80] =	vst v63  }
0x1b: {  	v0 =	vld.msk @!p0 [tilespmem:s15+$0x0 ss:$0x1], $0xffff;
	_ =	sdelay $0x4  }
0x1c: {  	vm1 =	vgt.s32 @!p0 v0, $0x0  }
0x1d: {  	v0 =	vnsel @!p0 vm1, $0x0, v0  }
0x1e: {  	v0 =	vmin.u32 @!p0 v0, $0x7FF;
	_ =	sdelay $0x3  }
0x1f: {  	s12 =	sor.u32 @!p0 $0x50, s12;
	(ifvalue) =	ssetifvalue @!p0 $0x7FFFFFFF  }
0x20: {  	[tilespmem:s12], [sflag:$0x1] =	stream.indirect_vreg.gather @!p0 [hbm4b:s2+s14], $0x1, v0, vm0, $0x4038;
	[tilespmem:$0x80] =	vst v63  }
0x21: {  	s12 =	simm.s32 @!p0 $0x1  }
0x22: {  	_ =	swait.ge @!p0 [sflag:s12], $0x20  }
0x23: {  	s14 =	sshrl.u32 @!p0 s11, $0x3;
	[sflag:s12] =	ssyncset.done @!p0 $0x0  }
0x24: {  	s11 =	sand.u32 @!p0 $0x7, s11;
	[sflag:s12] =	ssyncadd.s32 @!p0 $0xFFFFFFE0;
	s12 =	sadd.s32 @!p0 s6, s14  }
0x25: {  	[hbm4b:s12+s11] =	stream.linear.scatter @!p0 [tilespmem:s13], [sflag:$0x3], $0x20, $0x38;
	[tilespmem:$0x80] =	vst v63  }
0x26: {  	s13 =	sadd.s32 $0x400, s10  }
0x27: {  	p1 =	sgt.s32 s13, $0x7FF  }
0x28: {  	s13 =	smov.u32 @p1 s3;
	p1 =	sne.s32 s9, s7  }
.Ltmp0:
0x29: {  	p0 =	slt.u32 s9, $0x2;
	(pc) =	sbr.rel @p1 .LBB2_1-.Ltmp0, $4  }
0x2a: {  	s12 =	simm.s32 @!p0 $0x3  }
0x2b: {  	_ =	swait.ge @!p0 [sflag:s12], $0x20  }
0x2c: {  	s8 =	sadd.s32 $0x20, s8;
	s11 =	smov.u32 s10;
	[sflag:s12] =	ssyncset.done @!p0 $0x0  }
0x2d: {  	s9 =	sadd.s32 $0x1, s9;
	s10 =	smov.u32 s13;
	[sflag:s12] =	ssyncadd.s32 @!p0 $0xFFFFFFE0  }
0x2e: {  	_ =	sfence.sel $0x180000  }
0x2f: {  	s2 =	simm.s32 $0x2;
	[bflag:$0x0] =	sbarrier.arrive $0xFFFF  }
0x30: {  	s30 =	simm.s32 $0x3;
	[sflag:s2] =	ssyncpa.u1 $0x1  }
0x31: {  	s31 =	simm.s32 $0x1;
	[sflag:s30] =	ssyncpa.u1 $0x1  }
0x32: {  	[sflag:s31] =	ssyncpa.u1 $0x1  }
0x33: {  	p0 =	sne.s32 s0, $0x0;
	_ =	strace $0x9000004A  }
0x34: {  	s0 =	sadd.s32 @!p0 $0x100000, s1;
	[bflag:$0x2] =	sbarrier.arrive $0xFFFF  }
0x35: {  	[sflag:s0] =	ssyncadd.tile.s32 @!p0 $0x1;
	_ =	shalt  }
.Lfunc_end2:
_tile_overlayer_lowered:
.L_overlay_start_2:
0x36: {  	(tag) =	ssettag $0x2  }
0x37: {  	s0 =	rddreg [dreg:$0x0];
	s2 =	stileid.u32  }
0x38: {  	s1 =	rddreg [dreg:$0x1];
	p0 =	sne.s32 s2, $0x0  }
0x39: {  	s3 =	rddreg [dreg:$0x2];
	[bflag:$0x3] =	sbarrier.arrive $0xFFFF;
	s2 =	simm.s32 @!p0 $0x1C01  }
0x3a: {  	[timem:s3], [sflag:s2] =	dma.local @!p0 [hbm:s0], s1  }
0x3b: {  	s0 =	simm.s32 @!p0 $0x1  }
0x3c: {  	_ =	swait.ge @!p0 [sflag:s0], s1  }
0x3d: {  	s1 =	ssub.s32 @!p0 $0x0, s1;
	[sflag:s0] =	ssyncset.done @!p0 $0x0  }
0x3e: {  	[sflag:s0] =	ssyncadd.s32 @!p0 s1  }
0x3f: {  	[bflag:$0x3] =	sbarrier.arrive $0xFFFF  }
0x40: {  	_ =	shalt  }

// kernel: gather_offload_async_start
scs
__scs_entry_jumppad:
0x0: {  	(pc) =	sbr.rel $0x88, $3  }
0x1: {  	(tag) =	ssettag $0x0;
	lr =	simm.s32 $0x1  }
0x2: {  	[smem:$0x3F9B] =	sst lr;
	_ =	strace $0xD0000000  }
0x3: {  	_ = 	snop  }
0x4: {  	_ = 	snop  }
0x5: {  	_ = 	snop  }
0x6: {  	_ = 	snop  }
0x7: {  	_ = 	snop  }
__scs_overlays_trampoline_lowered:
0x8: {  	[smem:$0x3FAA] =	sst s0  }
0x9: {  	[smem:$0x3FAB] =	sst s1  }
0xa: {  	[smem:$0x3FAC] =	sst s2  }
0xb: {  	[smem:$0x3FAD] =	sst s3  }
0xc: {  	[smem:$0x3FAE] =	sst s4  }
0xd: {  	[smem:$0x3FAF] =	sst s5  }
0xe: {  	[smem:$0x3FB0] =	sst s6  }
0xf: {  	[smem:$0x3FB1] =	sst s7  }
0x10: {  	[smem:$0x3FB2] =	sst s8  }
0x11: {  	[smem:$0x3FB3] =	sst s9;
	s0 =	simm.s32 @!p0 $0x0  }
0x12: {  	s1 =	sld [smem:$0x3F99];
	s0 =	simm.s32 @p0 $0x1  }
0x13: {  	[smem:$0x3FB4] =	sst s0;
	s0 =	simm.s32 @!p1 $0x0  }
0x14: {  	s2 =	sld [smem:$0x3F98];
	s0 =	simm.s32 @p1 $0x1  }
0x15: {  	[smem:$0x3FB5] =	sst s0;
	s0 =	simm.s32 @!p2 $0x0  }
0x16: {  	s3 =	sld [smem:$0x3FDB];
	s0 =	simm.s32 @p2 $0x1  }
0x17: {  	s4 =	simm.s32 $0x1BF5;
	[smem:$0x3FB7] =	sst s0  }
0x18: {  	s0 =	sld [smem:$0x3F9A];
	_ =	swait.ge [sflag:s4], $0x0  }
0x19: {  	s7 =	sld [smem:$0x3F9B]  }
0x1a: {  	s8 =	sadd.s32 $0xFFFFE003, lr  }
0x1b: {  	s9 =	sadd.s32 $0xFFFFFEF7, lr;
	s5 =	simm.s32 $0xFFFFFFFF;
	p2 =	slt.u32 s8, $0xFFFFF086  }
0x1c: {  	p1 =	slt.u32 s9, $0xF7A;
	s5 =	simm.s32 @!p2 $0x0  }
0x1d: {  	s5 =	simm.s32 @p1 $0x1;
	p0 =	seq.s32 s7, s2  }
0x1e: {  	s7 =	smul.u32 @!p0 $0xF7A, s2;
	p2 =	seq.s32 @!p0 s5, $0x0  }
0x1f: {  	s9 =	smul.u32 $0xF7A, s1;
	s8 =	simm.s32 @!p0 $0x1BF5;
	p2 =	por !p2, p0  }
0x20: {  	[sflag:s8] =	ssyncset.s32 @!p0 $0xFFFFF086;
	s6 =	sadd.s32 @!p0 s3, s7;
	s7 =	simm.s32 @!p0 $0x108  }
0x21: {  	s3 =	sadd.s32 s3, s9;
	s6 =	sadd.s32 @!p0 $0x88, s6;
	s7 =	simm.s32 @p2 $0x1082  }
0x22: {  	[simem:s7], [sflag:s8] =	dma.local @!p0 [hbm:s6], $0xF7A  }
0x23: {  	s9 =	sor.u32 $0xD0000000, s2;
	s6 =	simm.s32 $0x108;
	_ =	swait.ge @!p0 [sflag:s8], $0x0  }
0x24: {  	s3 =	sadd.s32 $0x88, s3;
	s6 =	simm.s32 @!p1 $0x1082;
	[sflag:s4] =	ssyncset.s32 $0xFFFFF086  }
0x25: {  	[simem:s6], [sflag:s4] =	dma.local [hbm:s3], $0xF7A  }
0x26: {  	[smem:$0x3F9B] =	sst s1;
	(tag) =	ssettag s2;
	_ =	strace s9  }
0x27: {  	s1 =	sld [smem:$0x3FAB]  }
0x28: {  	s2 =	sld [smem:$0x3FAC]  }
0x29: {  	s4 =	sld [smem:$0x3FAE]  }
0x2a: {  	p0 =	seq.s32 s5, $0x0;
	s5 =	sld [smem:$0x3FAF]  }
0x2b: {  	s6 =	sld [smem:$0x3FB0]  }
0x2c: {  	s7 =	sld [smem:$0x3FB1]  }
0x2d: {  	s3 =	simm.s32 $0x108;
	s8 =	sld [smem:$0x3FB2]  }
0x2e: {  	s3 =	simm.s32 @!p0 $0x1082;
	s9 =	sld [smem:$0x3FB3]  }
0x2f: {  	lr =	sadd.s32 s0, s3;
	s0 =	sld [smem:$0x3FAA]  }
0x30: {  	s3 =	sld [smem:$0x3FAD]  }
0x31: {  	[smem:$0x3FB6] =	sst s10  }
0x32: {  	s10 =	sld [smem:$0x3FB4];
	_ =	sdelay $0x3  }
0x33: {  	p0 =	seq.s32 s10, $0x1;
	s10 =	sld [smem:$0x3FB6];
	_ =	sdelay $0x3  }
0x34: {  	[smem:$0x3FB6] =	sst s10  }
0x35: {  	s10 =	sld [smem:$0x3FB5];
	_ =	sdelay $0x3  }
0x36: {  	p1 =	seq.s32 s10, $0x1;
	s10 =	sld [smem:$0x3FB6];
	_ =	sdelay $0x3  }
0x37: {  	[smem:$0x3FB6] =	sst s10  }
0x38: {  	s10 =	sld [smem:$0x3FB7]  }
0x39: {  	_ = 	snop;
	(pc) =	sbr.ind lr, $3  }
0x3a: {  	_ = 	snop  }
0x3b: {  	_ = 	snop  }
0x3c: {  	p2 =	seq.s32 s10, $0x1;
	s10 =	sld [smem:$0x3FB6]  }
0x3d: {  	_ =	shalt  }
0x3e: {  	_ =	shalt  }
0x3f: {  	_ =	shalt  }
0x40: {  	_ =	shalt  }
0x41: {  	_ =	shalt  }
0x42: {  	_ =	shalt  }
0x43: {  	_ =	shalt  }
0x44: {  	_ =	shalt  }
0x45: {  	_ =	shalt  }
0x46: {  	_ =	shalt  }
0x47: {  	_ =	shalt  }
0x48: {  	_ =	shalt  }
0x49: {  	_ =	shalt  }
0x4a: {  	_ =	shalt  }
0x4b: {  	_ =	shalt  }
0x4c: {  	_ =	shalt  }
0x4d: {  	_ =	shalt  }
0x4e: {  	_ =	shalt  }
0x4f: {  	_ =	shalt  }
0x50: {  	_ =	shalt  }
0x51: {  	_ =	shalt  }
0x52: {  	_ =	shalt  }
0x53: {  	_ =	shalt  }
0x54: {  	_ =	shalt  }
0x55: {  	_ =	shalt  }
0x56: {  	_ =	shalt  }
0x57: {  	_ =	shalt  }
0x58: {  	_ =	shalt  }
0x59: {  	_ =	shalt  }
0x5a: {  	_ =	shalt  }
0x5b: {  	_ =	shalt  }
0x5c: {  	_ =	shalt  }
0x5d: {  	_ =	shalt  }
0x5e: {  	_ =	shalt  }
0x5f: {  	_ =	shalt  }
0x60: {  	_ =	shalt  }
0x61: {  	_ =	shalt  }
0x62: {  	_ =	shalt  }
0x63: {  	_ =	shalt  }
0x64: {  	_ =	shalt  }
0x65: {  	_ =	shalt  }
0x66: {  	_ =	shalt  }
0x67: {  	_ =	shalt  }
0x68: {  	_ =	shalt  }
0x69: {  	_ =	shalt  }
0x6a: {  	_ =	shalt  }
0x6b: {  	_ =	shalt  }
0x6c: {  	_ =	shalt  }
0x6d: {  	_ =	shalt  }
0x6e: {  	_ =	shalt  }
0x6f: {  	_ =	shalt  }
0x70: {  	_ =	shalt  }
0x71: {  	_ =	shalt  }
0x72: {  	_ =	shalt  }
0x73: {  	_ =	shalt  }
0x74: {  	_ =	shalt  }
0x75: {  	_ =	shalt  }
0x76: {  	_ =	shalt  }
0x77: {  	_ =	shalt  }
0x78: {  	_ =	shalt  }
0x79: {  	_ =	shalt  }
0x7a: {  	_ =	shalt  }
0x7b: {  	_ =	shalt  }
0x7c: {  	_ =	shalt  }
0x7d: {  	_ =	shalt  }
0x7e: {  	_ =	shalt  }
0x7f: {  	_ =	shalt  }
0x80: {  	_ =	shalt  }
0x81: {  	_ =	shalt  }
0x82: {  	_ =	shalt  }
0x83: {  	_ =	shalt  }
0x84: {  	_ =	shalt  }
0x85: {  	_ =	shalt  }
0x86: {  	_ =	shalt  }
0x87: {  	_ =	shalt  }
.Lfunc_end0:
.L_simem_size_0:
called_computation_lowered:
.L_overlay_start_0:
0x88: {  	s2 =	sld [smem:$0x3FD9]  }
0x89: {  	s3 =	sld [smem:$0x3FFE];
	_ =	sdelay $0x1  }
0x8a: {  	s1 =	srdreg.scid  }
0x8b: {  	s0 =	sand.u32 $0x1, s1  }
0x8c: {  	s17 =	sshll.u32 s0, $0xA;
	s2 =	sadd.s32 s3, s2  }
0x8d: {  	s2 =	sadd.s32 s2, s17  }
0x8e: {  	[smem:$0x3FC2] =	sst s2  }
0x8f: {  	_ = 	snop  }
0x90: {  	s2 =	sld [smem:$0x3FD0];
	(tm) =	ssettm $0x1  }
0x91: {  	s18 =	sld [smem:$0x3FFB];
	_ =	sdelay $0x3  }
0x92: {  	_ =	strace s18  }
0x93: {  	s3 =	sld [smem:$0x3FFC];
	_ =	sdelay $0x3  }
0x94: {  	_ =	strace s3  }
0x95: {  	s3 =	sld [smem:$0x3FFD];
	_ =	sdelay $0x3  }
0x96: {  	_ =	strace s3  }
0x97: {  	_ =	strace $0x8FFFFFFF  }
0x98: {  	s19 =	sld [smem:$0x3FDB];
	_ =	sdelay $0x1  }
0x99: {  	s4 =	simm.s32 $_scs_section_size  }
0x9a: {  	s5 =	simm.s32 $_size__tile_overlayer_lowered;
	s6 =	simm.s32 $_tile_overlayer_lowered  }
0x9b: {  	s22 =	simm.s32 $0x1BFF;
	s21 =	sshll.u32 s6, $0x1;
	s3 =	sadd.s32 s4, s19  }
0x9c: {  	s7 =	simm.s32 $0x0;
	s20 =	sshll.u32 s5, $0x1;
	s5 =	sadd.s32 s21, s3  }
0x9d: {  	[timem:s7], [sflag:s22] =	dma.local [hbm:s5], s20  }
0x9e: {  	_ =	swait.ge [sflag:s22], s20  }
0x9f: {  	s4 =	ssub.s32 $0x0, s20;
	[sflag:s22] =	ssyncset.done $0x0  }
0xa0: {  	[sflag:s22] =	ssyncadd.s32 s4;
	_ =	sdelay $0x1  }
0xa1: {  	s23 =	simm.s32 $0x1B8B  }
0xa2: {  	_ =	swait.ge [sflag:s23], $0x1  }
0xa3: {  	[sflag:s23] =	ssyncset.done $0x0  }
0xa4: {  	s25 =	simm.s32 $0x1B8E;
	s24 =	sld [smem:$0x3FFE];
	[sflag:s23] =	ssyncadd.s32 $0xFFFFFFFF  }
0xa5: {  	s26 =	simm.s32 $execute0_lowered;
	[smem:$0x3FD2] =	sst s25  }
0xa6: {  	s5 =	sshll.u32 s26, $0x1;
	_ =	strace $0x80000046;
	[dreg:$0x1] =	wrdreg $0xFFFFFFFF  }
0xa7: {  	s28 =	simm.s32 $_size_execute0_lowered;
	s3 =	sadd.s32 s3, s5;
	[dreg:$0x0] =	wrdreg $0x0  }
0xa8: {  	s5 =	sshll.u32 s28, $0x1;
	[dreg:$0x2] =	wrdreg s3  }
0xa9: {  	[dreg:$0x3] =	wrdreg s5  }
0xaa: {  	[dreg:$0x4] =	wrdreg $0xC0  }
0xab: {  	_ =	task [dreg:s7], $0x5FFFF  }
0xac: {  	[dreg:$0x1] =	wrdreg $0xFFFFFFFF  }
0xad: {  	[dreg:$0x0] =	wrdreg $0x60  }
0xae: {  	[dreg:$0x2] =	wrdreg s2  }
0xaf: {  	[dreg:$0x3] =	wrdreg s24  }
0xb0: {  	[dreg:$0x4] =	wrdreg $0x9  }
0xb1: {  	_ =	task.clear_ibuf [dreg:s7], $0x5FFFF;
	_ =	strace $0x90000046  }
0xb2: {  	s29 =	simm.s32 $0x9;
	_ =	strace $0x80000048  }
0xb3: {  	_ =	swait.ge [sflag:s29], $0x1  }
0xb4: {  	[sflag:s29] =	ssyncadd.s32 $0xFFFFFFFF  }
0xb5: {  	_ =	strace $0x90000048  }
0xb6: {  	_ =	sfence  }
0xb7: {  	s30 =	sld [smem:$0x0];
	_ =	sdelay $0x2  }
0xb8: {  	s31 =	sshll.u32 s1, $0xD;
	s1 =	sshrl.u32 s1, $0x2  }
0xb9: {  	s3 =	sand.u32 $0x4000, s31;
	s1 =	sadd.s32 s1, s30  }
0xba: {  	s0 =	sor.u32 s3, s0;
	s1 =	sshll.u32 s1, $0x11  }
0xbb: {  	s0 =	sor.u32 s1, s0  }
0xbc: {  	s0 =	sadd.s32 $0x8F2B, s0  }
0xbd: {  	[sflag:s0] =	ssyncadd.remote.s32 $0x1  }
0xbe: {  	_ =	sfence.sel $0xFFFF  }
0xbf: {  	[dreg:$0x0] =	wrdreg $0xFFFFFFFF;
	(pc) =	sbr.abs _section_cstart, $3  }
0xc0: {  	[dreg:$0x1] =	wrdreg $0xFFFFFFFF  }
0xc1: {  	_ =	task.clear_ibuf [dreg:s7], $0x2FFFF;
	_ =	strace $0x9FFFFFFF  }
0xc2: {  	(tm) =	ssettm $0x7FFFFFFF  }
0xc3: {  	_ =	shalt  }
tec
execute0_lowered:
.L_overlay_start_1:
0x0: {  	(tag) =	ssettag $0x1  }
0x1: {  	s1 =	srdreg.scid;
	s2 =	rddreg [dreg:$0x0]  }
0x2: {  	s0 =	stileid.u32;
	s6 =	rddreg [dreg:$0x1];
	s1 =	sshll.u32 s1, $0x5  }
0x3: {  	s7 =	simm.s32 $0x1;
	s3 =	sshll.u32 s0, $0x6;
	s1 =	sand.u32 $0x20, s1  }
0x4: {  	s30 =	simm.s32 $0x2;
	s31 =	simm.s32 $0x3;
	s3 =	sor.u32 s3, s1  }
0x5: {  	s11 =	simm.s32 $0x0;
	s9 =	simm.s32 $0x0;
	s5 =	ssub.s32 $0x800, s3  }
0x6: {  	s4 =	sadd.s32 $0x1600, s6;
	s6 =	sadd.s32 $0x1800, s6;
	s8 =	sand.u32 $0x3E0, s5  }
0x7: {  	s1 =	rddreg [dreg:$0x2];
	_ =	strace $0x80000047;
	p0 =	sne.s32 s8, $0x0  }
0x8: {  	[sflag:s7] =	ssyncpa.u1 $0x0;
	s5 =	sshrl.u32 s5, $0xA;
	s7 =	simm.s32 @!p0 $0x0  }
0x9: {  	s10 =	smov.u32 s3;
	[sflag:s30] =	ssyncpa.u1 $0x0;
	s5 =	sadd.s32 s7, s5  }
0xa: {  	[sflag:s31] =	ssyncpa.u1 $0x0;
	s8 =	simm.s32 $0x0;
	s7 =	sadd.s32 $0x1, s5  }
.LBB2_1:
0xb: {  	p0 =	sge.u32 s9, s5  }
0xc: {  	s31 =	sadd.s32 $0xFFFFFFFF, s9;
	s12 =	sxor.u32 @!p0 $0xFFFFFFFF, s8;
	s13 =	sshrl.u32 @!p0 s10, $0x3  }
0xd: {  	s14 =	sand.u32 @!p0 $0x7, s10;
	s12 =	sand.u32 @!p0 $0x20, s12;
	s13 =	sadd.s32 @!p0 s4, s13  }
0xe: {  	[tilespmem:s12], [sflag:$0x2] =	stream.linear.gather @!p0 [hbm4b:s13+s14], $0x20, $0x38;
	[tilespmem:$0x80] =	vst v63  }
0xf: {  	p0 =	sge.u32 s31, s5  }
0x10: {  	s12 =	simm.s32 @!p0 $0x2  }
0x11: {  	_ =	swait.ge @!p0 [sflag:s12], $0x20  }
0x12: {  	[sflag:s12] =	ssyncset.done @!p0 $0x0  }
0x13: {  	[sflag:s12] =	ssyncadd.s32 @!p0 $0xFFFFFFE0;
	s12 =	sand.u32 @!p0 $0x20, s8  }
0x14: {  	(ifvalue) =	ssetifvalue @!p0 $0x7FFFFFFF;
	v0 =	vld.msk @!p0 [tilespmem:s12+$0x0 ss:$0x1], $0xffff;
	_ =	sdelay $0x4  }
0x15: {  	vm0 =	vgt.s32 @!p0 v0, $0x0  }
0x16: {  	v0 =	vnsel @!p0 vm0, $0x0, v0  }
0x17: {  	v0 =	vmin.u32 @!p0 v0, $0x7FF;
	_ =	sdelay $0x2  }
0x18: {  	s14 =	simm.s32 @!p0 $0x0  }
0x19: {  	s13 =	sor.u32 @!p0 $0x40, s12;
	(ifvalue) =	ssetifvalue @!p0 $0x7FFFFFFF;
	s15 =	sor.u32 @!p0 $0x10, s12;
	vm0 =	vmmov @!p0 $0xffff  }
0x1a: {  	[tilespmem:s13], [sflag:$0x1] =	stream.indirect_vreg.gather @!p0 [hbm4b:s2+s14], $0x1, v0, vm0, $0x4038;
	[tilespmem:$0x80] =	vst v63  }
0x1b: {  	v0 =	vld.msk @!p0 [tilespmem:s15+$0x0 ss:$0x1], $0xffff;
	_ =	sdelay $0x4  }
0x1c: {  	vm1 =	vgt.s32 @!p0 v0, $0x0  }
0x1d: {  	v0 =	vnsel @!p0 vm1, $0x0, v0  }
0x1e: {  	v0 =	vmin.u32 @!p0 v0, $0x7FF;
	_ =	sdelay $0x3  }
0x1f: {  	s12 =	sor.u32 @!p0 $0x50, s12;
	(ifvalue) =	ssetifvalue @!p0 $0x7FFFFFFF  }
0x20: {  	[tilespmem:s12], [sflag:$0x1] =	stream.indirect_vreg.gather @!p0 [hbm4b:s2+s14], $0x1, v0, vm0, $0x4038;
	[tilespmem:$0x80] =	vst v63  }
0x21: {  	s12 =	simm.s32 @!p0 $0x1  }
0x22: {  	_ =	swait.ge @!p0 [sflag:s12], $0x20  }
0x23: {  	s14 =	sshrl.u32 @!p0 s11, $0x3;
	[sflag:s12] =	ssyncset.done @!p0 $0x0  }
0x24: {  	s11 =	sand.u32 @!p0 $0x7, s11;
	[sflag:s12] =	ssyncadd.s32 @!p0 $0xFFFFFFE0;
	s12 =	sadd.s32 @!p0 s6, s14  }
0x25: {  	[hbm4b:s12+s11] =	stream.linear.scatter @!p0 [tilespmem:s13], [sflag:$0x3], $0x20, $0x38;
	[tilespmem:$0x80] =	vst v63  }
0x26: {  	s13 =	sadd.s32 $0x400, s10  }
0x27: {  	p1 =	sgt.s32 s13, $0x7FF  }
0x28: {  	s13 =	smov.u32 @p1 s3;
	p1 =	sne.s32 s9, s7  }
.Ltmp0:
0x29: {  	p0 =	slt.u32 s9, $0x2;
	(pc) =	sbr.rel @p1 .LBB2_1-.Ltmp0, $4  }
0x2a: {  	s12 =	simm.s32 @!p0 $0x3  }
0x2b: {  	_ =	swait.ge @!p0 [sflag:s12], $0x20  }
0x2c: {  	s8 =	sadd.s32 $0x20, s8;
	s11 =	smov.u32 s10;
	[sflag:s12] =	ssyncset.done @!p0 $0x0  }
0x2d: {  	s9 =	sadd.s32 $0x1, s9;
	s10 =	smov.u32 s13;
	[sflag:s12] =	ssyncadd.s32 @!p0 $0xFFFFFFE0  }
0x2e: {  	_ =	sfence.sel $0x180000  }
0x2f: {  	s2 =	simm.s32 $0x2;
	[bflag:$0x0] =	sbarrier.arrive $0xFFFF  }
0x30: {  	s30 =	simm.s32 $0x3;
	[sflag:s2] =	ssyncpa.u1 $0x1  }
0x31: {  	s31 =	simm.s32 $0x1;
	[sflag:s30] =	ssyncpa.u1 $0x1  }
0x32: {  	[sflag:s31] =	ssyncpa.u1 $0x1  }
0x33: {  	p0 =	sne.s32 s0, $0x0;
	_ =	strace $0x90000047  }
0x34: {  	s0 =	sadd.s32 @!p0 $0x100000, s1;
	[bflag:$0x2] =	sbarrier.arrive $0xFFFF  }
0x35: {  	[sflag:s0] =	ssyncadd.tile.s32 @!p0 $0x1;
	_ =	shalt  }
.Lfunc_end2:
_tile_overlayer_lowered:
.L_overlay_start_2:
0x36: {  	(tag) =	ssettag $0x2  }
0x37: {  	s0 =	rddreg [dreg:$0x0];
	s2 =	stileid.u32  }
0x38: {  	s1 =	rddreg [dreg:$0x1];
	p0 =	sne.s32 s2, $0x0  }
0x39: {  	s3 =	rddreg [dreg:$0x2];
	[bflag:$0x3] =	sbarrier.arrive $0xFFFF;
	s2 =	simm.s32 @!p0 $0x1C01  }
0x3a: {  	[timem:s3], [sflag:s2] =	dma.local @!p0 [hbm:s0], s1  }
0x3b: {  	s0 =	simm.s32 @!p0 $0x1  }
0x3c: {  	_ =	swait.ge @!p0 [sflag:s0], s1  }
0x3d: {  	s1 =	ssub.s32 @!p0 $0x0, s1;
	[sflag:s0] =	ssyncset.done @!p0 $0x0  }
0x3e: {  	[sflag:s0] =	ssyncadd.s32 @!p0 s1  }
0x3f: {  	[bflag:$0x3] =	sbarrier.arrive $0xFFFF  }
0x40: {  	_ =	shalt  }

// kernel: kernel.5.cloned.1.call-start
scs
__scs_entry_jumppad:
0x0: {  	(pc) =	sbr.rel $0x88, $3  }
0x1: {  	(tag) =	ssettag $0x0;
	lr =	simm.s32 $0x1  }
0x2: {  	[smem:$0x3F9B] =	sst lr;
	_ =	strace $0xD0000000  }
0x3: {  	_ = 	snop  }
0x4: {  	_ = 	snop  }
0x5: {  	_ = 	snop  }
0x6: {  	_ = 	snop  }
0x7: {  	_ = 	snop  }
__scs_overlays_trampoline_lowered:
0x8: {  	[smem:$0x3FAA] =	sst s0  }
0x9: {  	[smem:$0x3FAB] =	sst s1  }
0xa: {  	[smem:$0x3FAC] =	sst s2  }
0xb: {  	[smem:$0x3FAD] =	sst s3  }
0xc: {  	[smem:$0x3FAE] =	sst s4  }
0xd: {  	[smem:$0x3FAF] =	sst s5  }
0xe: {  	[smem:$0x3FB0] =	sst s6  }
0xf: {  	[smem:$0x3FB1] =	sst s7  }
0x10: {  	[smem:$0x3FB2] =	sst s8  }
0x11: {  	[smem:$0x3FB3] =	sst s9;
	s0 =	simm.s32 @!p0 $0x0  }
0x12: {  	s1 =	sld [smem:$0x3F99];
	s0 =	simm.s32 @p0 $0x1  }
0x13: {  	[smem:$0x3FB4] =	sst s0;
	s0 =	simm.s32 @!p1 $0x0  }
0x14: {  	s2 =	sld [smem:$0x3F98];
	s0 =	simm.s32 @p1 $0x1  }
0x15: {  	[smem:$0x3FB5] =	sst s0;
	s0 =	simm.s32 @!p2 $0x0  }
0x16: {  	s3 =	sld [smem:$0x3FDB];
	s0 =	simm.s32 @p2 $0x1  }
0x17: {  	s4 =	simm.s32 $0x1BF5;
	[smem:$0x3FB7] =	sst s0  }
0x18: {  	s0 =	sld [smem:$0x3F9A];
	_ =	swait.ge [sflag:s4], $0x0  }
0x19: {  	s7 =	sld [smem:$0x3F9B]  }
0x1a: {  	s8 =	sadd.s32 $0xFFFFE003, lr  }
0x1b: {  	s9 =	sadd.s32 $0xFFFFFEF7, lr;
	s5 =	simm.s32 $0xFFFFFFFF;
	p2 =	slt.u32 s8, $0xFFFFF086  }
0x1c: {  	p1 =	slt.u32 s9, $0xF7A;
	s5 =	simm.s32 @!p2 $0x0  }
0x1d: {  	s5 =	simm.s32 @p1 $0x1;
	p0 =	seq.s32 s7, s2  }
0x1e: {  	s7 =	smul.u32 @!p0 $0xF7A, s2;
	p2 =	seq.s32 @!p0 s5, $0x0  }
0x1f: {  	s9 =	smul.u32 $0xF7A, s1;
	s8 =	simm.s32 @!p0 $0x1BF5;
	p2 =	por !p2, p0  }
0x20: {  	[sflag:s8] =	ssyncset.s32 @!p0 $0xFFFFF086;
	s6 =	sadd.s32 @!p0 s3, s7;
	s7 =	simm.s32 @!p0 $0x108  }
0x21: {  	s3 =	sadd.s32 s3, s9;
	s6 =	sadd.s32 @!p0 $0x88, s6;
	s7 =	simm.s32 @p2 $0x1082  }
0x22: {  	[simem:s7], [sflag:s8] =	dma.local @!p0 [hbm:s6], $0xF7A  }
0x23: {  	s9 =	sor.u32 $0xD0000000, s2;
	s6 =	simm.s32 $0x108;
	_ =	swait.ge @!p0 [sflag:s8], $0x0  }
0x24: {  	s3 =	sadd.s32 $0x88, s3;
	s6 =	simm.s32 @!p1 $0x1082;
	[sflag:s4] =	ssyncset.s32 $0xFFFFF086  }
0x25: {  	[simem:s6], [sflag:s4] =	dma.local [hbm:s3], $0xF7A  }
0x26: {  	[smem:$0x3F9B] =	sst s1;
	(tag) =	ssettag s2;
	_ =	strace s9  }
0x27: {  	s1 =	sld [smem:$0x3FAB]  }
0x28: {  	s2 =	sld [smem:$0x3FAC]  }
0x29: {  	s4 =	sld [smem:$0x3FAE]  }
0x2a: {  	p0 =	seq.s32 s5, $0x0;
	s5 =	sld [smem:$0x3FAF]  }
0x2b: {  	s6 =	sld [smem:$0x3FB0]  }
0x2c: {  	s7 =	sld [smem:$0x3FB1]  }
0x2d: {  	s3 =	simm.s32 $0x108;
	s8 =	sld [smem:$0x3FB2]  }
0x2e: {  	s3 =	simm.s32 @!p0 $0x1082;
	s9 =	sld [smem:$0x3FB3]  }
0x2f: {  	lr =	sadd.s32 s0, s3;
	s0 =	sld [smem:$0x3FAA]  }
0x30: {  	s3 =	sld [smem:$0x3FAD]  }
0x31: {  	[smem:$0x3FB6] =	sst s10  }
0x32: {  	s10 =	sld [smem:$0x3FB4];
	_ =	sdelay $0x3  }
0x33: {  	p0 =	seq.s32 s10, $0x1;
	s10 =	sld [smem:$0x3FB6];
	_ =	sdelay $0x3  }
0x34: {  	[smem:$0x3FB6] =	sst s10  }
0x35: {  	s10 =	sld [smem:$0x3FB5];
	_ =	sdelay $0x3  }
0x36: {  	p1 =	seq.s32 s10, $0x1;
	s10 =	sld [smem:$0x3FB6];
	_ =	sdelay $0x3  }
0x37: {  	[smem:$0x3FB6] =	sst s10  }
0x38: {  	s10 =	sld [smem:$0x3FB7]  }
0x39: {  	_ = 	snop;
	(pc) =	sbr.ind lr, $3  }
0x3a: {  	_ = 	snop  }
0x3b: {  	_ = 	snop  }
0x3c: {  	p2 =	seq.s32 s10, $0x1;
	s10 =	sld [smem:$0x3FB6]  }
0x3d: {  	_ =	shalt  }
0x3e: {  	_ =	shalt  }
0x3f: {  	_ =	shalt  }
0x40: {  	_ =	shalt  }
0x41: {  	_ =	shalt  }
0x42: {  	_ =	shalt  }
0x43: {  	_ =	shalt  }
0x44: {  	_ =	shalt  }
0x45: {  	_ =	shalt  }
0x46: {  	_ =	shalt  }
0x47: {  	_ =	shalt  }
0x48: {  	_ =	shalt  }
0x49: {  	_ =	shalt  }
0x4a: {  	_ =	shalt  }
0x4b: {  	_ =	shalt  }
0x4c: {  	_ =	shalt  }
0x4d: {  	_ =	shalt  }
0x4e: {  	_ =	shalt  }
0x4f: {  	_ =	shalt  }
0x50: {  	_ =	shalt  }
0x51: {  	_ =	shalt  }
0x52: {  	_ =	shalt  }
0x53: {  	_ =	shalt  }
0x54: {  	_ =	shalt  }
0x55: {  	_ =	shalt  }
0x56: {  	_ =	shalt  }
0x57: {  	_ =	shalt  }
0x58: {  	_ =	shalt  }
0x59: {  	_ =	shalt  }
0x5a: {  	_ =	shalt  }
0x5b: {  	_ =	shalt  }
0x5c: {  	_ =	shalt  }
0x5d: {  	_ =	shalt  }
0x5e: {  	_ =	shalt  }
0x5f: {  	_ =	shalt  }
0x60: {  	_ =	shalt  }
0x61: {  	_ =	shalt  }
0x62: {  	_ =	shalt  }
0x63: {  	_ =	shalt  }
0x64: {  	_ =	shalt  }
0x65: {  	_ =	shalt  }
0x66: {  	_ =	shalt  }
0x67: {  	_ =	shalt  }
0x68: {  	_ =	shalt  }
0x69: {  	_ =	shalt  }
0x6a: {  	_ =	shalt  }
0x6b: {  	_ =	shalt  }
0x6c: {  	_ =	shalt  }
0x6d: {  	_ =	shalt  }
0x6e: {  	_ =	shalt  }
0x6f: {  	_ =	shalt  }
0x70: {  	_ =	shalt  }
0x71: {  	_ =	shalt  }
0x72: {  	_ =	shalt  }
0x73: {  	_ =	shalt  }
0x74: {  	_ =	shalt  }
0x75: {  	_ =	shalt  }
0x76: {  	_ =	shalt  }
0x77: {  	_ =	shalt  }
0x78: {  	_ =	shalt  }
0x79: {  	_ =	shalt  }
0x7a: {  	_ =	shalt  }
0x7b: {  	_ =	shalt  }
0x7c: {  	_ =	shalt  }
0x7d: {  	_ =	shalt  }
0x7e: {  	_ =	shalt  }
0x7f: {  	_ =	shalt  }
0x80: {  	_ =	shalt  }
0x81: {  	_ =	shalt  }
0x82: {  	_ =	shalt  }
0x83: {  	_ =	shalt  }
0x84: {  	_ =	shalt  }
0x85: {  	_ =	shalt  }
0x86: {  	_ =	shalt  }
0x87: {  	_ =	shalt  }
.Lfunc_end0:
.L_simem_size_0:
called_computation.2_lowered:
.L_overlay_start_0:
0x88: {  	s2 =	sld [smem:$0x3FD9]  }
0x89: {  	s3 =	sld [smem:$0x3FFE];
	_ =	sdelay $0x1  }
0x8a: {  	s1 =	srdreg.scid  }
0x8b: {  	s0 =	sand.u32 $0x1, s1  }
0x8c: {  	s17 =	sshll.u32 s0, $0xA;
	s2 =	sadd.s32 s3, s2  }
0x8d: {  	s2 =	sadd.s32 s2, s17  }
0x8e: {  	[smem:$0x3FC2] =	sst s2  }
0x8f: {  	_ = 	snop  }
0x90: {  	s18 =	sld [smem:$0x3FC9];
	(tm) =	ssettm $0x1  }
0x91: {  	s19 =	sld [smem:$0x3FFB];
	_ =	sdelay $0x3  }
0x92: {  	_ =	strace s19  }
0x93: {  	s2 =	sld [smem:$0x3FFC];
	_ =	sdelay $0x3  }
0x94: {  	_ =	strace s2  }
0x95: {  	s2 =	sld [smem:$0x3FFD];
	_ =	sdelay $0x3  }
0x96: {  	_ =	strace s2  }
0x97: {  	_ =	strace $0x8FFFFFFF  }
0x98: {  	s20 =	sld [smem:$0x3FDB];
	_ =	sdelay $0x1  }
0x99: {  	s4 =	simm.s32 $_scs_section_size  }
0x9a: {  	s5 =	simm.s32 $_size__tile_overlayer_lowered;
	s6 =	simm.s32 $_tile_overlayer_lowered  }
0x9b: {  	s7 =	simm.s32 $0x1BFF;
	s21 =	sshll.u32 s6, $0x1;
	s4 =	sadd.s32 s4, s20  }
0x9c: {  	s22 =	simm.s32 $0x0;
	s5 =	sshll.u32 s5, $0x1;
	s6 =	sadd.s32 s21, s4  }
0x9d: {  	[timem:s22], [sflag:s7] =	dma.local [hbm:s6], s5  }
0x9e: {  	_ =	swait.ge [sflag:s7], s5  }
0x9f: {  	s5 =	ssub.s32 $0x0, s5;
	[sflag:s7] =	ssyncset.done $0x0  }
0xa0: {  	[sflag:s7] =	ssyncadd.s32 s5;
	_ =	sdelay $0x1  }
0xa1: {  	s23 =	simm.s32 $0x1B8B  }
0xa2: {  	_ =	swait.ge [sflag:s23], $0x1  }
0xa3: {  	[sflag:s23] =	ssyncset.done $0x0  }
0xa4: {  	[sflag:s23] =	ssyncadd.s32 $0xFFFFFFFF  }
0xa5: {  	s5 =	sld [smem:$0x0]  }
0xa6: {  	s6 =	sand.u32 $0xFFFFFFFE, s1  }
0xa7: {  	p0 =	sne.s32 s1, s6  }
0xa8: {  	s6 =	sshll.u32 @p0 s6, $0xE  }
0xa9: {  	s6 =	sadd.s32 @p0 $0x11B8D, s6;
	s7 =	sshll.u32 @p0 s5, $0x11  }
0xaa: {  	s6 =	sor.u32 @p0 s7, s6  }
0xab: {  	[sflag:s6] =	ssyncadd.remote.s32 @p0 $0x1;
	_ =	sdelay $0x1  }
0xac: {  	s6 =	simm.s32 @p0 $0x1B8D  }
0xad: {  	_ =	swait.eq @p0 [sflag:s6], $0x1  }
0xae: {  	[sflag:s6] =	ssyncadd.s32 @p0 $0xFFFFFFFF  }
0xaf: {  	s7 =	sshll.u32 @!p0 s1, $0xE  }
0xb0: {  	s7 =	sor.u32 @!p0 $0x4000, s7;
	s6 =	simm.s32 @!p0 $0x1B8D  }
0xb1: {  	s5 =	sshll.u32 @!p0 s5, $0x11;
	s7 =	sadd.s32 @!p0 $0x11B8D, s7;
	_ =	swait.eq @!p0 [sflag:s6], $0x1  }
0xb2: {  	s5 =	sor.u32 @!p0 s5, s7;
	[sflag:s6] =	ssyncadd.s32 @!p0 $0xFFFFFFFF  }
0xb3: {  	s25 =	simm.s32 $0x1B8E;
	s24 =	sld [smem:$0x3FFE];
	[sflag:s5] =	ssyncadd.remote.s32 @!p0 $0x1  }
0xb4: {  	s26 =	simm.s32 $execute0_lowered;
	[smem:$0x3FD2] =	sst s25  }
0xb5: {  	s6 =	sshll.u32 s26, $0x1;
	_ =	strace $0x8000004C;
	[dreg:$0x1] =	wrdreg $0xFFFFFFFF  }
0xb6: {  	s28 =	simm.s32 $_size_execute0_lowered;
	s4 =	sadd.s32 s4, s6;
	[dreg:$0x0] =	wrdreg $0x0  }
0xb7: {  	s6 =	sshll.u32 s28, $0x1;
	[dreg:$0x2] =	wrdreg s4  }
0xb8: {  	[dreg:$0x3] =	wrdreg s6  }
0xb9: {  	[dreg:$0x4] =	wrdreg $0xC0  }
0xba: {  	_ =	task [dreg:s22], $0x5FFFF  }
0xbb: {  	[dreg:$0x1] =	wrdreg $0xFFFFFFFF  }
0xbc: {  	[dreg:$0x0] =	wrdreg $0x60  }
0xbd: {  	[dreg:$0x2] =	wrdreg s18  }
0xbe: {  	[dreg:$0x3] =	wrdreg s24  }
0xbf: {  	[dreg:$0x4] =	wrdreg $0xB  }
0xc0: {  	_ =	task.clear_ibuf [dreg:s22], $0x5FFFF;
	_ =	strace $0x9000004C  }
0xc1: {  	s29 =	simm.s32 $0xB;
	_ =	strace $0x8000004E  }
0xc2: {  	_ =	swait.ge [sflag:s29], $0x1  }
0xc3: {  	[sflag:s29] =	ssyncadd.s32 $0xFFFFFFFF  }
0xc4: {  	_ =	strace $0x9000004E  }
0xc5: {  	_ =	sfence  }
0xc6: {  	s30 =	sld [smem:$0x0];
	_ =	sdelay $0x2  }
0xc7: {  	s31 =	sshll.u32 s1, $0xD;
	s1 =	sshrl.u32 s1, $0x2  }
0xc8: {  	s4 =	sand.u32 $0x4000, s31;
	s1 =	sadd.s32 s1, s30  }
0xc9: {  	s0 =	sor.u32 s4, s0;
	s1 =	sshll.u32 s1, $0x11  }
0xca: {  	s0 =	sor.u32 s1, s0  }
0xcb: {  	s0 =	sadd.s32 $0x8F2B, s0  }
0xcc: {  	[sflag:s0] =	ssyncadd.remote.s32 $0x1  }
0xcd: {  	_ =	sfence.sel $0xFFFF  }
0xce: {  	[dreg:$0x0] =	wrdreg $0xFFFFFFFF;
	(pc) =	sbr.abs _section_cstart, $3  }
0xcf: {  	[dreg:$0x1] =	wrdreg $0xFFFFFFFF  }
0xd0: {  	_ =	task.clear_ibuf [dreg:s22], $0x2FFFF;
	_ =	strace $0x9FFFFFFF  }
0xd1: {  	(tm) =	ssettm $0x7FFFFFFF  }
tec
execute0_lowered:
.L_overlay_start_1:
0x0: {  	(tag) =	ssettag $0x1  }
0x1: {  	s1 =	srdreg.scid  }
0x2: {  	s0 =	stileid.u32;
	s2 =	rddreg [dreg:$0x0]  }
0x3: {  	s5 =	rddreg [dreg:$0x1];
	s18 =	simm.s32 $0x880;
	s19 =	simm.s32 $0x1080  }
0x4: {  	s20 =	simm.s32 $0x1880;
	s22 =	simm.s32 $0x2080;
	s23 =	simm.s32 $0x2880  }
0x5: {  	s24 =	simm.s32 $0x3080;
	s7 =	simm.s32 $0x3880;
	s8 =	simm.s32 $0x4080  }
0x6: {  	s25 =	simm.s32 $0x4880;
	s26 =	simm.s32 $0x5080;
	s1 =	sand.u32 $0x1, s1  }
0x7: {  	s9 =	simm.s32 $0x80;
	s3 =	sshll.u32 s0, $0x7;
	s4 =	sshll.u32 s1, $0x6  }
0x8: {  	s11 =	simm.s32 $0x6080;
	s4 =	sor.u32 s4, s3;
	s3 =	simm.s32 $0x0  }
0x9: {  	s12 =	simm.s32 $0x6880;
	s13 =	simm.s32 $0x7080;
	[smem:$0x7FF] =	sst s3  }
0xa: {  	s14 =	simm.s32 $0x7880;
	_ =	strace $0x8000004D;
	[dreg:$0x5] =	wrdreg s18  }
0xb: {  	s15 =	simm.s32 $0x8080;
	s16 =	simm.s32 $0x8880;
	[dreg:$0x6] =	wrdreg s19  }
0xc: {  	s28 =	simm.s32 $0xE080;
	s29 =	simm.s32 $0xE880;
	[dreg:$0x7] =	wrdreg s20  }
0xd: {  	s30 =	simm.s32 $0xF080;
	s1 =	ssub.s32 $0x2, s1;
	[dreg:$0x8] =	wrdreg s22  }
0xe: {  	s31 =	simm.s32 $0xF880;
	s21 =	sshrl.u32 s1, $0x1;
	[dreg:$0x9] =	wrdreg s23  }
0xf: {  	s6 =	sshrl.u32 s4, $0x3;
	s4 =	sshll.u32 s4, $0x7;
	[dreg:$0xa] =	wrdreg s24  }
0x10: {  	s1 =	ssub.s32 s1, s21;
	s21 =	simm.s32 $0xB080;
	[dreg:$0xb] =	wrdreg s7  }
0x11: {  	s6 =	sadd.s32 s6, s5;
	s4 =	sadd.s32 s4, s5;
	[dreg:$0xc] =	wrdreg s8  }
0x12: {  	s5 =	sadd.s32 $0x200, s2;
	s7 =	smax.u32 s1, $0x1;
	[dreg:$0xd] =	wrdreg s25  }
0x13: {  	s8 =	simm.s32 $0x2;
	[dreg:$0xe] =	wrdreg s26;
	s18 =	simm.s32 $0x9880  }
0x14: {  	s19 =	simm.s32 $0xA080;
	s20 =	simm.s32 $0xA880;
	s22 =	simm.s32 $0xB880  }
0x15: {  	s23 =	simm.s32 $0xC080;
	s24 =	simm.s32 $0xC880;
	s25 =	simm.s32 $0xD080  }
0x16: {  	v2 =	vlaneseq.u32;
	s26 =	simm.s32 $0xD880;
	s1 =	simm.s32 $0x1;
	s17 =	sadd.s32 $0x1400, s6  }
0x17: {  	vm0 =	vmmov $0xffff;
	v1 =	vshrl.u32 v2, $0x3;
	s4 =	sadd.s32 $0x1C00, s4;
	s6 =	sadd.s32 $0x300, s2;
	[dreg:$0x3] =	wrdreg s17  }
0x18: {  	v0 =	vand.u32 $0x7, v2;
	v2 =	vor.u32 $0x8, v2;
	v1 =	vmul.u32 $0x8, v1;
	[dreg:$0x4] =	wrdreg s4;
	s4 =	sadd.s32 $0x100, s2;
	s17 =	simm.s32 $0x9080  }
.LBB2_1:
0x19: {  	s0 =	rddreg [dreg:$0x3]  }
0x1a: {  	[tilespmem:s3], [sflag:$0x2] =	stream.linear.gather [hbm4b:s0+s3], $0x40, $0x38;
	[tilespmem:$0x10080] =	vst v63  }
0x1b: {  	_ =	swait.ge [sflag:s8], $0x40  }
0x1c: {  	[sflag:s8] =	ssyncset.done $0x0  }
0x1d: {  	[sflag:s8] =	ssyncadd.s32 $0xFFFFFFC0  }
0x1e: {  	v3 =	vld [tilespmem:$0x0];
	_ =	sdelay $0x4  }
0x1f: {  	v4 =	vshll.u32 v3, $0x3  }
0x20: {  	v3 =	vand.u32 $0x7, v3;
	v4 =	vand.u32 $0xFFFFFFC0, v4  }
0x21: {  	v3 =	vor.u32 v3, v4  }
0x22: {  	v4 =	vperm.xlane v3, v0;
	_ =	sdelay $0x1  }
0x23: {  	v4 =	vadd.s32 v1, v4;
	_ =	sdelay $0x4  }
0x24: {  	[tilespmem:s9], [sflag:$0x1] =	stream.indirect_vreg.gather [hbm4b:s2+s3], $0x80, v4, vm0, $0xb8;
	[tilespmem:$0x10080] =	vst v63  }
0x25: {  	s0 =	rddreg [dreg:$0x5];
	v3 =	vperm.xlane v3, v2  }
0x26: {  	[tilespmem:s0], [sflag:$0x1] =	stream.indirect_vreg.gather [hbm4b:s4+s3], $0x80, v4, vm0, $0xb8;
	[tilespmem:$0x10080] =	vst v63  }
0x27: {  	s10 =	rddreg [dreg:$0x6];
	v3 =	vadd.s32 v1, v3  }
0x28: {  	[tilespmem:s10], [sflag:$0x1] =	stream.indirect_vreg.gather [hbm4b:s5+s3], $0x80, v4, vm0, $0xb8;
	[tilespmem:$0x10080] =	vst v63  }
0x29: {  	s0 =	rddreg [dreg:$0x7]  }
0x2a: {  	[tilespmem:s0], [sflag:$0x1] =	stream.indirect_vreg.gather [hbm4b:s6+s3], $0x80, v4, vm0, $0xb8;
	[tilespmem:$0x10080] =	vst v63  }
0x2b: {  	s10 =	rddreg [dreg:$0x8]  }
0x2c: {  	[tilespmem:s10], [sflag:$0x1] =	stream.indirect_vreg.gather [hbm4b:s2+s3], $0x80, v3, vm0, $0xb8;
	[tilespmem:$0x10080] =	vst v63  }
0x2d: {  	s0 =	rddreg [dreg:$0x9]  }
0x2e: {  	[tilespmem:s0], [sflag:$0x1] =	stream.indirect_vreg.gather [hbm4b:s4+s3], $0x80, v3, vm0, $0xb8;
	[tilespmem:$0x10080] =	vst v63  }
0x2f: {  	s10 =	rddreg [dreg:$0xa]  }
0x30: {  	[tilespmem:s10], [sflag:$0x1] =	stream.indirect_vreg.gather [hbm4b:s5+s3], $0x80, v3, vm0, $0xb8;
	[tilespmem:$0x10080] =	vst v63  }
0x31: {  	s0 =	rddreg [dreg:$0xb]  }
0x32: {  	[tilespmem:s0], [sflag:$0x1] =	stream.indirect_vreg.gather [hbm4b:s6+s3], $0x80, v3, vm0, $0xb8;
	[tilespmem:$0x10080] =	vst v63  }
0x33: {  	v3 =	vld [tilespmem:$0x10];
	_ =	sdelay $0x4  }
0x34: {  	v61 =	vshll.u32 v3, $0x3  }
0x35: {  	v3 =	vand.u32 $0x7, v3;
	v4 =	vand.u32 $0xFFFFFFC0, v61  }
0x36: {  	v3 =	vor.u32 v3, v4  }
0x37: {  	v4 =	vperm.xlane v3, v0;
	_ =	sdelay $0x1  }
0x38: {  	v4 =	vadd.s32 v1, v4;
	_ =	sdelay $0x3  }
0x39: {  	s0 =	rddreg [dreg:$0xc]  }
0x3a: {  	[tilespmem:s0], [sflag:$0x1] =	stream.indirect_vreg.gather [hbm4b:s2+s3], $0x80, v4, vm0, $0xb8;
	[tilespmem:$0x10080] =	vst v63  }
0x3b: {  	s10 =	rddreg [dreg:$0xd];
	v3 =	vperm.xlane v3, v2  }
0x3c: {  	[tilespmem:s10], [sflag:$0x1] =	stream.indirect_vreg.gather [hbm4b:s4+s3], $0x80, v4, vm0, $0xb8;
	[tilespmem:$0x10080] =	vst v63  }
0x3d: {  	v3 =	vadd.s32 v1, v3;
	s0 =	rddreg [dreg:$0xe]  }
0x3e: {  	[tilespmem:s0], [sflag:$0x1] =	stream.indirect_vreg.gather [hbm4b:s5+s3], $0x80, v4, vm0, $0xb8;
	[tilespmem:$0x10080] =	vst v63  }
0x3f: {  	s10 =	simm.s32 $0x5880  }
0x40: {  	[tilespmem:s10], [sflag:$0x1] =	stream.indirect_vreg.gather [hbm4b:s6+s3], $0x80, v4, vm0, $0xb8;
	[tilespmem:$0x10080] =	vst v63  }
0x41: {  	_ = 	snop  }
0x42: {  	[tilespmem:s11], [sflag:$0x1] =	stream.indirect_vreg.gather [hbm4b:s2+s3], $0x80, v3, vm0, $0xb8;
	[tilespmem:$0x10080] =	vst v63  }
0x43: {  	_ = 	snop  }
0x44: {  	[tilespmem:s12], [sflag:$0x1] =	stream.indirect_vreg.gather [hbm4b:s4+s3], $0x80, v3, vm0, $0xb8;
	[tilespmem:$0x10080] =	vst v63  }
0x45: {  	_ = 	snop  }
0x46: {  	[tilespmem:s13], [sflag:$0x1] =	stream.indirect_vreg.gather [hbm4b:s5+s3], $0x80, v3, vm0, $0xb8;
	[tilespmem:$0x10080] =	vst v63  }
0x47: {  	_ = 	snop  }
0x48: {  	[tilespmem:s14], [sflag:$0x1] =	stream.indirect_vreg.gather [hbm4b:s6+s3], $0x80, v3, vm0, $0xb8;
	[tilespmem:$0x10080] =	vst v63  }
0x49: {  	v3 =	vld [tilespmem:$0x20];
	_ =	sdelay $0x4  }
0x4a: {  	v62 =	vshll.u32 v3, $0x3  }
0x4b: {  	v3 =	vand.u32 $0x7, v3;
	v4 =	vand.u32 $0xFFFFFFC0, v62  }
0x4c: {  	v3 =	vor.u32 v3, v4  }
0x4d: {  	v4 =	vperm.xlane v3, v0;
	_ =	sdelay $0x1  }
0x4e: {  	v4 =	vadd.s32 v1, v4;
	_ =	sdelay $0x4  }
0x4f: {  	[tilespmem:s15], [sflag:$0x1] =	stream.indirect_vreg.gather [hbm4b:s2+s3], $0x80, v4, vm0, $0xb8;
	[tilespmem:$0x10080] =	vst v63  }
0x50: {  	v3 =	vperm.xlane v3, v2  }
0x51: {  	[tilespmem:s16], [sflag:$0x1] =	stream.indirect_vreg.gather [hbm4b:s4+s3], $0x80, v4, vm0, $0xb8;
	[tilespmem:$0x10080] =	vst v63  }
0x52: {  	v3 =	vadd.s32 v1, v3  }
0x53: {  	[tilespmem:s17], [sflag:$0x1] =	stream.indirect_vreg.gather [hbm4b:s5+s3], $0x80, v4, vm0, $0xb8;
	[tilespmem:$0x10080] =	vst v63  }
0x54: {  	_ = 	snop  }
0x55: {  	[tilespmem:s18], [sflag:$0x1] =	stream.indirect_vreg.gather [hbm4b:s6+s3], $0x80, v4, vm0, $0xb8;
	[tilespmem:$0x10080] =	vst v63  }
0x56: {  	_ = 	snop  }
0x57: {  	[tilespmem:s19], [sflag:$0x1] =	stream.indirect_vreg.gather [hbm4b:s2+s3], $0x80, v3, vm0, $0xb8;
	[tilespmem:$0x10080] =	vst v63  }
0x58: {  	_ = 	snop  }
0x59: {  	[tilespmem:s20], [sflag:$0x1] =	stream.indirect_vreg.gather [hbm4b:s4+s3], $0x80, v3, vm0, $0xb8;
	[tilespmem:$0x10080] =	vst v63  }
0x5a: {  	_ = 	snop  }
0x5b: {  	[tilespmem:s21], [sflag:$0x1] =	stream.indirect_vreg.gather [hbm4b:s5+s3], $0x80, v3, vm0, $0xb8;
	[tilespmem:$0x10080] =	vst v63  }
0x5c: {  	_ = 	snop  }
0x5d: {  	[tilespmem:s22], [sflag:$0x1] =	stream.indirect_vreg.gather [hbm4b:s6+s3], $0x80, v3, vm0, $0xb8;
	[tilespmem:$0x10080] =	vst v63  }
0x5e: {  	v3 =	vld [tilespmem:$0x30];
	_ =	sdelay $0x4  }
0x5f: {  	v63 =	vshll.u32 v3, $0x3  }
0x60: {  	v3 =	vand.u32 $0x7, v3;
	v4 =	vand.u32 $0xFFFFFFC0, v63  }
0x61: {  	v3 =	vor.u32 v3, v4  }
0x62: {  	v4 =	vperm.xlane v3, v0;
	_ =	sdelay $0x1  }
0x63: {  	v4 =	vadd.s32 v1, v4;
	_ =	sdelay $0x4  }
0x64: {  	[tilespmem:s23], [sflag:$0x1] =	stream.indirect_vreg.gather [hbm4b:s2+s3], $0x80, v4, vm0, $0xb8;
	[tilespmem:$0x10080] =	vst v63  }
0x65: {  	v3 =	vperm.xlane v3, v2  }
0x66: {  	[tilespmem:s24], [sflag:$0x1] =	stream.indirect_vreg.gather [hbm4b:s4+s3], $0x80, v4, vm0, $0xb8;
	[tilespmem:$0x10080] =	vst v63  }
0x67: {  	v3 =	vadd.s32 v1, v3  }
0x68: {  	[tilespmem:s25], [sflag:$0x1] =	stream.indirect_vreg.gather [hbm4b:s5+s3], $0x80, v4, vm0, $0xb8;
	[tilespmem:$0x10080] =	vst v63  }
0x69: {  	_ = 	snop  }
0x6a: {  	[tilespmem:s26], [sflag:$0x1] =	stream.indirect_vreg.gather [hbm4b:s6+s3], $0x80, v4, vm0, $0xb8;
	[tilespmem:$0x10080] =	vst v63  }
0x6b: {  	_ = 	snop  }
0x6c: {  	[tilespmem:s28], [sflag:$0x1] =	stream.indirect_vreg.gather [hbm4b:s2+s3], $0x80, v3, vm0, $0xb8;
	[tilespmem:$0x10080] =	vst v63  }
0x6d: {  	_ = 	snop  }
0x6e: {  	[tilespmem:s29], [sflag:$0x1] =	stream.indirect_vreg.gather [hbm4b:s4+s3], $0x80, v3, vm0, $0xb8;
	[tilespmem:$0x10080] =	vst v63  }
0x6f: {  	_ = 	snop  }
0x70: {  	[tilespmem:s30], [sflag:$0x1] =	stream.indirect_vreg.gather [hbm4b:s5+s3], $0x80, v3, vm0, $0xb8;
	[tilespmem:$0x10080] =	vst v63  }
0x71: {  	_ = 	snop  }
0x72: {  	[tilespmem:s31], [sflag:$0x1] =	stream.indirect_vreg.gather [hbm4b:s6+s3], $0x80, v3, vm0, $0xb8;
	[tilespmem:$0x10080] =	vst v63  }
0x73: {  	_ =	swait.ge [sflag:s1], $0x10000  }
0x74: {  	p0 =	sne.s32 s7, $0x1;
	[sflag:s1] =	ssyncset.done $0x0  }
.Ltmp0:
0x75: {  	s10 =	rddreg [dreg:$0x4];
	[sflag:s1] =	ssyncadd.s32 $0xFFFF0000;
	(pc) =	sbr.rel @p0 .LBB2_1-.Ltmp0, $4  }
0x76: {  	[hbm4b:s10+s3] =	stream.linear.scatter [tilespmem:s9], [sflag:$0x2], $0x10000, $0x38;
	[tilespmem:$0x10080] =	vst v63  }
0x77: {  	_ =	swait.ge [sflag:s8], $0x10000  }
0x78: {  	[sflag:s8] =	ssyncset.done $0x0  }
0x79: {  	s7 =	sadd.s32 $0xFFFFFFFF, s7;
	[sflag:s8] =	ssyncadd.s32 $0xFFFF0000  }
0x7a: {  	_ =	sfence.sel $0x180000  }
0x7b: {  	[bflag:$0x0] =	sbarrier.arrive $0xFFFF  }
0x7c: {  	_ =	strace $0x9000004D  }
0x7d: {  	s0 =	stileid.u32;
	[bflag:$0x2] =	sbarrier.arrive $0xFFFF  }
0x7e: {  	p0 =	sne.s32 s0, $0x0;
	s0 =	rddreg [dreg:$0x2]  }
0x7f: {  	s0 =	sadd.s32 @!p0 $0x100000, s0  }
0x80: {  	[sflag:s0] =	ssyncadd.tile.s32 @!p0 $0x1;
	_ =	shalt  }
.Lfunc_end2:
_tile_overlayer_lowered:
.L_overlay_start_2:
0x81: {  	(tag) =	ssettag $0x2  }
0x82: {  	s0 =	rddreg [dreg:$0x0];
	s2 =	stileid.u32  }
0x83: {  	s1 =	rddreg [dreg:$0x1];
	p0 =	sne.s32 s2, $0x0  }
0x84: {  	s3 =	rddreg [dreg:$0x2];
	[bflag:$0x3] =	sbarrier.arrive $0xFFFF;
	s2 =	simm.s32 @!p0 $0x1C02  }
0x85: {  	[timem:s3], [sflag:s2] =	dma.local @!p0 [hbm:s0], s1  }
0x86: {  	s0 =	simm.s32 @!p0 $0x2  }
0x87: {  	_ =	swait.ge @!p0 [sflag:s0], s1  }
0x88: {  	s1 =	ssub.s32 @!p0 $0x0, s1;
	[sflag:s0] =	ssyncset.done @!p0 $0x0  }
0x89: {  	[sflag:s0] =	ssyncadd.s32 @!p0 s1  }
0x8a: {  	[bflag:$0x3] =	sbarrier.arrive $0xFFFF  }
0x8b: {  	_ =	shalt  }

// kernel: kernel.8.cloned.1.call-start
scs
__scs_entry_jumppad:
0x0: {  	(pc) =	sbr.rel $0x88, $3  }
0x1: {  	(tag) =	ssettag $0x0;
	lr =	simm.s32 $0x1  }
0x2: {  	[smem:$0x3F9B] =	sst lr;
	_ =	strace $0xD0000000  }
0x3: {  	_ = 	snop  }
0x4: {  	_ = 	snop  }
0x5: {  	_ = 	snop  }
0x6: {  	_ = 	snop  }
0x7: {  	_ = 	snop  }
__scs_overlays_trampoline_lowered:
0x8: {  	[smem:$0x3FAA] =	sst s0  }
0x9: {  	[smem:$0x3FAB] =	sst s1  }
0xa: {  	[smem:$0x3FAC] =	sst s2  }
0xb: {  	[smem:$0x3FAD] =	sst s3  }
0xc: {  	[smem:$0x3FAE] =	sst s4  }
0xd: {  	[smem:$0x3FAF] =	sst s5  }
0xe: {  	[smem:$0x3FB0] =	sst s6  }
0xf: {  	[smem:$0x3FB1] =	sst s7  }
0x10: {  	[smem:$0x3FB2] =	sst s8  }
0x11: {  	[smem:$0x3FB3] =	sst s9;
	s0 =	simm.s32 @!p0 $0x0  }
0x12: {  	s1 =	sld [smem:$0x3F99];
	s0 =	simm.s32 @p0 $0x1  }
0x13: {  	[smem:$0x3FB4] =	sst s0;
	s0 =	simm.s32 @!p1 $0x0  }
0x14: {  	s2 =	sld [smem:$0x3F98];
	s0 =	simm.s32 @p1 $0x1  }
0x15: {  	[smem:$0x3FB5] =	sst s0;
	s0 =	simm.s32 @!p2 $0x0  }
0x16: {  	s3 =	sld [smem:$0x3FDB];
	s0 =	simm.s32 @p2 $0x1  }
0x17: {  	s4 =	simm.s32 $0x1BF5;
	[smem:$0x3FB7] =	sst s0  }
0x18: {  	s0 =	sld [smem:$0x3F9A];
	_ =	swait.ge [sflag:s4], $0x0  }
0x19: {  	s7 =	sld [smem:$0x3F9B]  }
0x1a: {  	s8 =	sadd.s32 $0xFFFFE003, lr  }
0x1b: {  	s9 =	sadd.s32 $0xFFFFFEF7, lr;
	s5 =	simm.s32 $0xFFFFFFFF;
	p2 =	slt.u32 s8, $0xFFFFF086  }
0x1c: {  	p1 =	slt.u32 s9, $0xF7A;
	s5 =	simm.s32 @!p2 $0x0  }
0x1d: {  	s5 =	simm.s32 @p1 $0x1;
	p0 =	seq.s32 s7, s2  }
0x1e: {  	s7 =	smul.u32 @!p0 $0xF7A, s2;
	p2 =	seq.s32 @!p0 s5, $0x0  }
0x1f: {  	s9 =	smul.u32 $0xF7A, s1;
	s8 =	simm.s32 @!p0 $0x1BF5;
	p2 =	por !p2, p0  }
0x20: {  	[sflag:s8] =	ssyncset.s32 @!p0 $0xFFFFF086;
	s6 =	sadd.s32 @!p0 s3, s7;
	s7 =	simm.s32 @!p0 $0x108  }
0x21: {  	s3 =	sadd.s32 s3, s9;
	s6 =	sadd.s32 @!p0 $0x88, s6;
	s7 =	simm.s32 @p2 $0x1082  }
0x22: {  	[simem:s7], [sflag:s8] =	dma.local @!p0 [hbm:s6], $0xF7A  }
0x23: {  	s9 =	sor.u32 $0xD0000000, s2;
	s6 =	simm.s32 $0x108;
	_ =	swait.ge @!p0 [sflag:s8], $0x0  }
0x24: {  	s3 =	sadd.s32 $0x88, s3;
	s6 =	simm.s32 @!p1 $0x1082;
	[sflag:s4] =	ssyncset.s32 $0xFFFFF086  }
0x25: {  	[simem:s6], [sflag:s4] =	dma.local [hbm:s3], $0xF7A  }
0x26: {  	[smem:$0x3F9B] =	sst s1;
	(tag) =	ssettag s2;
	_ =	strace s9  }
0x27: {  	s1 =	sld [smem:$0x3FAB]  }
0x28: {  	s2 =	sld [smem:$0x3FAC]  }
0x29: {  	s4 =	sld [smem:$0x3FAE]  }
0x2a: {  	p0 =	seq.s32 s5, $0x0;
	s5 =	sld [smem:$0x3FAF]  }
0x2b: {  	s6 =	sld [smem:$0x3FB0]  }
0x2c: {  	s7 =	sld [smem:$0x3FB1]  }
0x2d: {  	s3 =	simm.s32 $0x108;
	s8 =	sld [smem:$0x3FB2]  }
0x2e: {  	s3 =	simm.s32 @!p0 $0x1082;
	s9 =	sld [smem:$0x3FB3]  }
0x2f: {  	lr =	sadd.s32 s0, s3;
	s0 =	sld [smem:$0x3FAA]  }
0x30: {  	s3 =	sld [smem:$0x3FAD]  }
0x31: {  	[smem:$0x3FB6] =	sst s10  }
0x32: {  	s10 =	sld [smem:$0x3FB4];
	_ =	sdelay $0x3  }
0x33: {  	p0 =	seq.s32 s10, $0x1;
	s10 =	sld [smem:$0x3FB6];
	_ =	sdelay $0x3  }
0x34: {  	[smem:$0x3FB6] =	sst s10  }
0x35: {  	s10 =	sld [smem:$0x3FB5];
	_ =	sdelay $0x3  }
0x36: {  	p1 =	seq.s32 s10, $0x1;
	s10 =	sld [smem:$0x3FB6];
	_ =	sdelay $0x3  }
0x37: {  	[smem:$0x3FB6] =	sst s10  }
0x38: {  	s10 =	sld [smem:$0x3FB7]  }
0x39: {  	_ = 	snop;
	(pc) =	sbr.ind lr, $3  }
0x3a: {  	_ = 	snop  }
0x3b: {  	_ = 	snop  }
0x3c: {  	p2 =	seq.s32 s10, $0x1;
	s10 =	sld [smem:$0x3FB6]  }
0x3d: {  	_ =	shalt  }
0x3e: {  	_ =	shalt  }
0x3f: {  	_ =	shalt  }
0x40: {  	_ =	shalt  }
0x41: {  	_ =	shalt  }
0x42: {  	_ =	shalt  }
0x43: {  	_ =	shalt  }
0x44: {  	_ =	shalt  }
0x45: {  	_ =	shalt  }
0x46: {  	_ =	shalt  }
0x47: {  	_ =	shalt  }
0x48: {  	_ =	shalt  }
0x49: {  	_ =	shalt  }
0x4a: {  	_ =	shalt  }
0x4b: {  	_ =	shalt  }
0x4c: {  	_ =	shalt  }
0x4d: {  	_ =	shalt  }
0x4e: {  	_ =	shalt  }
0x4f: {  	_ =	shalt  }
0x50: {  	_ =	shalt  }
0x51: {  	_ =	shalt  }
0x52: {  	_ =	shalt  }
0x53: {  	_ =	shalt  }
0x54: {  	_ =	shalt  }
0x55: {  	_ =	shalt  }
0x56: {  	_ =	shalt  }
0x57: {  	_ =	shalt  }
0x58: {  	_ =	shalt  }
0x59: {  	_ =	shalt  }
0x5a: {  	_ =	shalt  }
0x5b: {  	_ =	shalt  }
0x5c: {  	_ =	shalt  }
0x5d: {  	_ =	shalt  }
0x5e: {  	_ =	shalt  }
0x5f: {  	_ =	shalt  }
0x60: {  	_ =	shalt  }
0x61: {  	_ =	shalt  }
0x62: {  	_ =	shalt  }
0x63: {  	_ =	shalt  }
0x64: {  	_ =	shalt  }
0x65: {  	_ =	shalt  }
0x66: {  	_ =	shalt  }
0x67: {  	_ =	shalt  }
0x68: {  	_ =	shalt  }
0x69: {  	_ =	shalt  }
0x6a: {  	_ =	shalt  }
0x6b: {  	_ =	shalt  }
0x6c: {  	_ =	shalt  }
0x6d: {  	_ =	shalt  }
0x6e: {  	_ =	shalt  }
0x6f: {  	_ =	shalt  }
0x70: {  	_ =	shalt  }
0x71: {  	_ =	shalt  }
0x72: {  	_ =	shalt  }
0x73: {  	_ =	shalt  }
0x74: {  	_ =	shalt  }
0x75: {  	_ =	shalt  }
0x76: {  	_ =	shalt  }
0x77: {  	_ =	shalt  }
0x78: {  	_ =	shalt  }
0x79: {  	_ =	shalt  }
0x7a: {  	_ =	shalt  }
0x7b: {  	_ =	shalt  }
0x7c: {  	_ =	shalt  }
0x7d: {  	_ =	shalt  }
0x7e: {  	_ =	shalt  }
0x7f: {  	_ =	shalt  }
0x80: {  	_ =	shalt  }
0x81: {  	_ =	shalt  }
0x82: {  	_ =	shalt  }
0x83: {  	_ =	shalt  }
0x84: {  	_ =	shalt  }
0x85: {  	_ =	shalt  }
0x86: {  	_ =	shalt  }
0x87: {  	_ =	shalt  }
.Lfunc_end0:
.L_simem_size_0:
called_computation.3_lowered:
.L_overlay_start_0:
0x88: {  	s2 =	sld [smem:$0x3FD9]  }
0x89: {  	s3 =	sld [smem:$0x3FFE];
	_ =	sdelay $0x1  }
0x8a: {  	s1 =	srdreg.scid  }
0x8b: {  	s0 =	sand.u32 $0x1, s1  }
0x8c: {  	s16 =	sshll.u32 s0, $0xA;
	s2 =	sadd.s32 s3, s2  }
0x8d: {  	s2 =	sadd.s32 s2, s16  }
0x8e: {  	[smem:$0x3FC2] =	sst s2  }
0x8f: {  	_ = 	snop  }
0x90: {  	(tm) =	ssettm $0x1  }
0x91: {  	s17 =	sld [smem:$0x3FFB];
	_ =	sdelay $0x3  }
0x92: {  	_ =	strace s17  }
0x93: {  	s2 =	sld [smem:$0x3FFC];
	_ =	sdelay $0x3  }
0x94: {  	_ =	strace s2  }
0x95: {  	s2 =	sld [smem:$0x3FFD];
	_ =	sdelay $0x3  }
0x96: {  	_ =	strace s2  }
0x97: {  	_ =	strace $0x8FFFFFFF  }
0x98: {  	s18 =	sld [smem:$0x3FDB];
	_ =	sdelay $0x1  }
0x99: {  	s19 =	simm.s32 $_scs_section_size  }
0x9a: {  	s4 =	simm.s32 $_size__tile_overlayer_lowered;
	s5 =	simm.s32 $_tile_overlayer_lowered  }
0x9b: {  	s22 =	simm.s32 $0x1BFF;
	s21 =	sshll.u32 s5, $0x1;
	s2 =	sadd.s32 s19, s18  }
0x9c: {  	s6 =	simm.s32 $0x0;
	s20 =	sshll.u32 s4, $0x1;
	s4 =	sadd.s32 s21, s2  }
0x9d: {  	[timem:s6], [sflag:s22] =	dma.local [hbm:s4], s20  }
0x9e: {  	_ =	swait.ge [sflag:s22], s20  }
0x9f: {  	s3 =	ssub.s32 $0x0, s20;
	[sflag:s22] =	ssyncset.done $0x0  }
0xa0: {  	[sflag:s22] =	ssyncadd.s32 s3;
	_ =	sdelay $0x1  }
0xa1: {  	s23 =	simm.s32 $0x1B8B  }
0xa2: {  	_ =	swait.ge [sflag:s23], $0x1  }
0xa3: {  	[sflag:s23] =	ssyncset.done $0x0  }
0xa4: {  	s25 =	simm.s32 $0x1B8E;
	s24 =	sld [smem:$0x3FFE];
	[sflag:s23] =	ssyncadd.s32 $0xFFFFFFFF  }
0xa5: {  	s26 =	simm.s32 $execute0_lowered;
	[smem:$0x3FD2] =	sst s25  }
0xa6: {  	s4 =	sshll.u32 s26, $0x1;
	_ =	strace $0x8000004F;
	[dreg:$0x1] =	wrdreg $0xFFFFFFFF  }
0xa7: {  	s28 =	simm.s32 $_size_execute0_lowered;
	s2 =	sadd.s32 s2, s4;
	[dreg:$0x0] =	wrdreg $0x0  }
0xa8: {  	s4 =	sshll.u32 s28, $0x1;
	[dreg:$0x2] =	wrdreg s2  }
0xa9: {  	[dreg:$0x3] =	wrdreg s4  }
0xaa: {  	[dreg:$0x4] =	wrdreg $0xC0  }
0xab: {  	_ =	task [dreg:s6], $0x5FFFF  }
0xac: {  	[dreg:$0x1] =	wrdreg $0xFFFFFFFF  }
0xad: {  	[dreg:$0x0] =	wrdreg $0x60  }
0xae: {  	[dreg:$0x2] =	wrdreg s24  }
0xaf: {  	[dreg:$0x3] =	wrdreg $0x9  }
0xb0: {  	_ =	task.clear_ibuf [dreg:s6], $0x4FFFF;
	_ =	strace $0x9000004F  }
0xb1: {  	s29 =	simm.s32 $0x9;
	_ =	strace $0x80000051  }
0xb2: {  	_ =	swait.ge [sflag:s29], $0x1  }
0xb3: {  	[sflag:s29] =	ssyncadd.s32 $0xFFFFFFFF  }
0xb4: {  	_ =	strace $0x90000051  }
0xb5: {  	_ =	sfence  }
0xb6: {  	s30 =	sld [smem:$0x0];
	_ =	sdelay $0x2  }
0xb7: {  	s31 =	sshll.u32 s1, $0xD;
	s1 =	sshrl.u32 s1, $0x2  }
0xb8: {  	s3 =	sand.u32 $0x4000, s31;
	s1 =	sadd.s32 s1, s30  }
0xb9: {  	s0 =	sor.u32 s3, s0;
	s1 =	sshll.u32 s1, $0x11  }
0xba: {  	s0 =	sor.u32 s1, s0  }
0xbb: {  	s0 =	sadd.s32 $0x8F2B, s0  }
0xbc: {  	[sflag:s0] =	ssyncadd.remote.s32 $0x1  }
0xbd: {  	_ =	sfence.sel $0xFFFF  }
0xbe: {  	[dreg:$0x0] =	wrdreg $0xFFFFFFFF;
	(pc) =	sbr.abs _section_cstart, $3  }
0xbf: {  	[dreg:$0x1] =	wrdreg $0xFFFFFFFF  }
0xc0: {  	_ =	task.clear_ibuf [dreg:s6], $0x2FFFF;
	_ =	strace $0x9FFFFFFF  }
0xc1: {  	(tm) =	ssettm $0x7FFFFFFF  }
tec
execute0_lowered:
.L_overlay_start_1:
0x0: {  	(tag) =	ssettag $0x1  }
0x1: {  	s1 =	srdreg.scid  }
0x2: {  	s0 =	stileid.u32;
	s5 =	sand.u32 $0x1, s1  }
0x3: {  	s30 =	sshll.u32 s0, $0x7;
	s2 =	sshll.u32 s5, $0x6  }
0x4: {  	s7 =	rddreg [dreg:$0x0];
	s4 =	simm.s32 $0x2;
	s6 =	sor.u32 s2, s30  }
0x5: {  	s1 =	rddreg [dreg:$0x1];
	s2 =	simm.s32 $0x0;
	s3 =	sshrl.u32 s6, $0x3  }
0x6: {  	s8 =	ssub.s32 $0x2, s5;
	[smem:$0x7FF] =	sst s2;
	s3 =	sadd.s32 s3, s7  }
0x7: {  	s9 =	sshrl.u32 s8, $0x1;
	_ =	strace $0x80000050;
	s3 =	sadd.s32 $0x1400, s3  }
0x8: {  	[tilespmem:s2], [sflag:$0x2] =	stream.linear.gather [hbm4b:s3+s2], $0x40, $0x38;
	[tilespmem:$0x2080] =	vst v63  }
0x9: {  	s6 =	sshll.u32 s6, $0x4;
	s8 =	ssub.s32 s8, s9;
	_ =	swait.ge [sflag:s4], $0x40  }
0xa: {  	s31 =	sadd.s32 s6, s7;
	s6 =	simm.s32 $0x80;
	[sflag:s4] =	ssyncset.done $0x0  }
0xb: {  	s10 =	smax.u32 s8, $0x1;
	s5 =	sadd.s32 $0x1DEE00, s31;
	[sflag:s4] =	ssyncadd.s32 $0xFFFFFFC0  }
0xc: {  	[tilespmem:s6], [sflag:$0x2] =	stream.linear.gather [hbm4b:s5+s2], $0x2000, $0x38;
	[tilespmem:$0x2080] =	vst v63  }
0xd: {  	p0 =	sne.s32 s10, $0x1;
	_ =	swait.ge [sflag:s4], $0x2000  }
.Ltmp0:
0xe: {  	s9 =	simm.s32 $0x40;
	[sflag:s4] =	ssyncset.done $0x0;
	(pc) =	sbr.rel @!p0 .LBB2_2-.Ltmp0, $4  }
0xf: {  	s7 =	sadd.s32 $0x1600, s7;
	s8 =	simm.s32 $0x1;
	[sflag:s4] =	ssyncadd.s32 $0xFFFFE000  }
0x10: {  	[hbm4b:s7+s9] =	stream.indirect.scatter [tilespmem:s6], [sflag:$0x1], $0x80, s2, s9, $0xb8;
	[tilespmem:$0x2080] =	vst v63  }
0x11: {  	_ =	swait.ge [sflag:s8], $0x2000  }
0x12: {  	s10 =	sadd.s32 $0xFFFFFFFF, s10;
	[sflag:s8] =	ssyncset.done $0x0  }
.LBB2_1:
0x13: {  	p0 =	sne.s32 s10, $0x1;
	s10 =	sadd.s32 $0xFFFFFFFF, s10;
	[sflag:s8] =	ssyncadd.s32 $0xFFFFE000  }
0x14: {  	[tilespmem:s2], [sflag:$0x2] =	stream.linear.gather [hbm4b:s3+s2], $0x40, $0x38;
	[tilespmem:$0x2080] =	vst v63  }
0x15: {  	_ =	swait.ge [sflag:s4], $0x40  }
0x16: {  	[sflag:s4] =	ssyncset.done $0x0  }
0x17: {  	[sflag:s4] =	ssyncadd.s32 $0xFFFFFFC0  }
0x18: {  	[tilespmem:s6], [sflag:$0x2] =	stream.linear.gather [hbm4b:s5+s2], $0x2000, $0x38;
	[tilespmem:$0x2080] =	vst v63  }
0x19: {  	_ =	swait.ge [sflag:s4], $0x2000  }
.Ltmp1:
0x1a: {  	[sflag:s4] =	ssyncset.done $0x0;
	(pc) =	sbr.rel @p0 .LBB2_1-.Ltmp1, $4  }
0x1b: {  	[sflag:s4] =	ssyncadd.s32 $0xFFFFE000  }
0x1c: {  	[hbm4b:s7+s9] =	stream.indirect.scatter [tilespmem:s6], [sflag:$0x1], $0x80, s2, s9, $0xb8;
	[tilespmem:$0x2080] =	vst v63  }
0x1d: {  	_ =	swait.ge [sflag:s8], $0x2000  }
0x1e: {  	[sflag:s8] =	ssyncset.done $0x0  }
.LBB2_2:
0x1f: {  	[sflag:s8] =	ssyncadd.s32 $0xFFFFE000  }
0x20: {  	_ =	sfence.sel $0x180000  }
0x21: {  	[bflag:$0x0] =	sbarrier.arrive $0xFFFF  }
0x22: {  	p0 =	sne.s32 s0, $0x0;
	_ =	strace $0x90000050  }
0x23: {  	s0 =	sadd.s32 @!p0 $0x100000, s1;
	[bflag:$0x2] =	sbarrier.arrive $0xFFFF  }
0x24: {  	[sflag:s0] =	ssyncadd.tile.s32 @!p0 $0x1;
	_ =	shalt  }
.Lfunc_end2:
_tile_overlayer_lowered:
.L_overlay_start_2:
0x25: {  	(tag) =	ssettag $0x2  }
0x26: {  	s0 =	rddreg [dreg:$0x0];
	s2 =	stileid.u32  }
0x27: {  	s1 =	rddreg [dreg:$0x1];
	p0 =	sne.s32 s2, $0x0  }
0x28: {  	s3 =	rddreg [dreg:$0x2];
	[bflag:$0x3] =	sbarrier.arrive $0xFFFF;
	s2 =	simm.s32 @!p0 $0x1C02  }
0x29: {  	[timem:s3], [sflag:s2] =	dma.local @!p0 [hbm:s0], s1  }
0x2a: {  	s0 =	simm.s32 @!p0 $0x2  }
0x2b: {  	_ =	swait.ge @!p0 [sflag:s0], s1  }
0x2c: {  	s1 =	ssub.s32 @!p0 $0x0, s1;
	[sflag:s0] =	ssyncset.done @!p0 $0x0  }
0x2d: {  	[sflag:s0] =	ssyncadd.s32 @!p0 s1  }
0x2e: {  	[bflag:$0x3] =	sbarrier.arrive $0xFFFF  }
0x2f: {  	_ =	shalt  }

</sc_bundles>
